<compile_context>
chip_gen: v7x
topology: tpu7x:2x2x1
jax: 0.10.2.dev20260603
libtpu: 0.0.44.dev20260713+nightly
codegen_flags: <defaults>
</compile_context>

<pallas_src>
import jax
import jax.numpy as jnp
from jax import lax
from jax.experimental import pallas as pl
from jax.experimental.pallas import tpu as pltpu
from jax.experimental.pallas import tpu_sc as plsc

L = 16
NW = 32
N = 21824
NG = 200
GP = 208
B = 224
PER_TILE = 688
SENT = 2.0e9
NGRP = 12

CHUNKS = ((0, 512, 512, 0), (16384, 128, 128, 512),
          (20480, 32, 32, 640), (21504, 16, 16, 672))


def _sc_body(ax_h, ay_h, bx_h, by_h, gts_h, out_h,
             av, gv, bcx, bcy, bgi, outv,
             sem_g, sem_a0, sem_a1, sem_a2, sem_a3):
    nc = 2
    wid = lax.axis_index("s") * nc + lax.axis_index("c")
    asems = (sem_a0, sem_a1, sem_a2, sem_a3)
    comps = (ax_h, ay_h, bx_h, by_h)

    cp_g = pltpu.async_copy(gts_h, gv, sem_g)
    copies = []
    for (base, step, cnt, voff), sem in zip(CHUNKS[:3], asems[:3]):
        start = pl.multiple_of(base + step * wid, 16)
        for cc in range(4):
            copies.append(pltpu.async_copy(
                comps[cc].at[pl.ds(start, cnt)],
                av.at[pl.ds(688 * cc + voff, cnt)], sem))
    small = wid < 20

    @pl.when(small)
    def _():
        start = pl.multiple_of(21504 + 16 * wid, 16)
        hs = [pltpu.async_copy(comps[cc].at[pl.ds(start, 16)],
                               av.at[pl.ds(688 * cc + 672, 16)], sem_a3)
              for cc in range(4)]
        for h in hs:
            h.wait()

    sent_vec = jnp.full((L,), SENT, jnp.float32)
    iota = lax.iota(jnp.int32, L)
    cp_g.wait()

    def prep(k, cnts):
        o = k * L
        x0 = gv[pl.ds(0 * GP + o, L)]
        y0 = gv[pl.ds(1 * GP + o, L)]
        x1 = gv[pl.ds(2 * GP + o, L)]
        y1 = gv[pl.ds(3 * GP + o, L)]
        area = (x1 - x0) * (y1 - y0)
        lv = jnp.zeros((L,), jnp.float32)
        for thr in (1024.0, 4096.0, 16384.0, 65536.0):
            lv = lv + jnp.where(area >= thr, 1.0, 0.0).astype(jnp.float32)
        lv = jnp.where(area >= 262144.0, 0.0, lv)
        cx = (x0 + x1) * 0.5
        cy = (y0 + y1) * 0.5
        gidx = iota + o
        valid = gidx < NG
        out = []
        for l in range(5):
            m = (lv == float(l)) & valid
            r = plsc.cumsum(m.astype(jnp.int32))
            dest = cnts[l] + r + (B * l - 1)
            plsc.store_scatter(bcx, [dest], cx, mask=m)
            plsc.store_scatter(bcy, [dest], cy, mask=m)
            plsc.store_scatter(bgi, [dest], gidx, mask=m)
            out.append(cnts[l] + plsc.all_reduce_population_count(m))
        return tuple(out)

    cnts = lax.fori_loop(0, GP // L, prep,
                         tuple(jnp.zeros((L,), jnp.int32) for _ in range(5)))
    c = [jnp.max(cnts[l]) for l in range(5)]
    for l in range(5):
        plsc.store_scatter(bcx, [iota + (B * l + c[l])], sent_vec)

    for handle in copies:
        handle.wait()

    neg2 = jnp.full((L,), -2, jnp.int32)

    def scan_streams(starts, nq, boxes):

        @plsc.parallel_loop(0, nq, carry=(neg2, neg2, neg2, neg2))
        def scan(q, assigns):
            out = list(assigns)
            for u in range(4):
                idx = jnp.full((L,), starts[u] + q, jnp.int32)
                bxv = plsc.load_gather(bcx, [idx])
                byv = plsc.load_gather(bcy, [idx])
                bgv = plsc.load_gather(bgi, [idx])
                a0, a1, a2, a3 = boxes[u]
                m = (bxv > a0) & (byv > a1) & (bxv < a2) & (byv < a3)
                out[u] = jnp.where(m, bgv, out[u])
            return tuple(out)

        return scan

    def load_box(row):
        return [plsc.load_gather(av, [row + 688 * cc]) for cc in range(4)]

    def group(g, carry):
        rows = [iota + (64 * g + 16 * u) for u in range(4)]
        bb = jnp.where(g < 8, 0, B)
        n = jnp.where(g < 8, c[0], c[1])

        @pl.when(n == 0)
        def _():
            for u in range(4):
                plsc.store_scatter(outv, [rows[u]], neg2)

        @pl.when(n > 0)
        def _():
            boxes = [load_box(rows[u]) for u in range(4)]
            nq = (n + 3) >> 2

            @plsc.parallel_loop(0, nq, carry=(neg2, neg2, neg2, neg2))
            def scan(q, assigns):
                out = list(assigns)
                j = bb + q * 4
                for u in range(4):
                    idx = jnp.full((L,), j + u, jnp.int32)
                    bxv = plsc.load_gather(bcx, [idx])
                    byv = plsc.load_gather(bcy, [idx])
                    bgv = plsc.load_gather(bgi, [idx])
                    for si, (a0, a1, a2, a3) in enumerate(boxes):
                        m = (bxv > a0) & (byv > a1) & (bxv < a2) & (byv < a3)
                        out[si] = jnp.where(m, bgv, out[si])
                return tuple(out)

            for u in range(4):
                plsc.store_scatter(outv, [rows[u]], scan[u])
        return carry

    lax.fori_loop(0, 10, group, 0)

    o0 = pltpu.async_copy(outv.at[pl.ds(0, 512)],
                          out_h.at[pl.ds(pl.multiple_of(512 * wid, 16), 512)],
                          sem_a0)
    o1 = pltpu.async_copy(outv.at[pl.ds(512, 128)],
                          out_h.at[pl.ds(pl.multiple_of(16384 + 128 * wid, 16), 128)],
                          sem_a1)

    r40 = iota + 640
    r41 = iota + 656
    h2 = (c[2] + 1) >> 1
    b40 = load_box(r40)
    b41 = load_box(r41)
    p = scan_streams([2 * B, 2 * B, 2 * B + h2, 2 * B + h2], h2,
                     [b40, b41, b40, b41])
    plsc.store_scatter(outv, [r40], jnp.maximum(p[0], p[2]))
    plsc.store_scatter(outv, [r41], jnp.maximum(p[1], p[3]))

    r42 = iota + 672
    bb42 = jnp.where(wid < 16, 3 * B, 4 * B)
    n42 = jnp.where(small, jnp.where(wid < 16, c[3], c[4]), 0)
    q4 = (n42 + 3) >> 2
    b42 = load_box(r42)
    p = scan_streams([bb42, bb42 + q4, bb42 + 2 * q4, bb42 + 3 * q4], q4,
                     [b42, b42, b42, b42])
    plsc.store_scatter(outv, [r42],
                       jnp.maximum(jnp.maximum(p[0], p[1]),
                                   jnp.maximum(p[2], p[3])))

    o2 = pltpu.async_copy(outv.at[pl.ds(640, 32)],
                          out_h.at[pl.ds(pl.multiple_of(20480 + 32 * wid, 16), 32)],
                          sem_a2)

    @pl.when(small)
    def _():
        pltpu.async_copy(outv.at[pl.ds(672, 16)],
                         out_h.at[pl.ds(pl.multiple_of(21504 + 16 * wid, 16), 16)],
                         sem_a3).wait()

    o0.wait()
    o1.wait()
    o2.wait()


@jax.jit
def kernel(anchor, gts):
    cols = [anchor[:, cc] for cc in range(4)]
    gflat = jnp.pad(gts.T, ((0, 0), (0, GP - NG)),
                    constant_values=SENT).reshape(-1)

    mesh = plsc.VectorSubcoreMesh(core_axis_name="c", subcore_axis_name="s")
    run = pl.kernel(
        _sc_body,
        mesh=mesh,
        compiler_params=pltpu.CompilerParams(needs_layout_passes=False,
                                             skip_device_barrier=True),
        out_type=jax.ShapeDtypeStruct((N,), jnp.int32),
        scratch_types=[
            pltpu.VMEM((4 * PER_TILE,), jnp.float32),
            pltpu.VMEM((4 * GP,), jnp.float32),
            pltpu.VMEM((5 * B,), jnp.float32),
            pltpu.VMEM((5 * B,), jnp.float32),
            pltpu.VMEM((5 * B,), jnp.int32),
            pltpu.VMEM((PER_TILE,), jnp.int32),
            pltpu.SemaphoreType.DMA,
            pltpu.SemaphoreType.DMA,
            pltpu.SemaphoreType.DMA,
            pltpu.SemaphoreType.DMA,
            pltpu.SemaphoreType.DMA,
        ],
    )
    return run(*cols, gflat).astype(jnp.int64)

# --- scband reference (transcript-rebuilt; emitter-appended) ---
"""Pipeline reference for scband-fcos-assign-55697135894708 (READ-ONLY COPY).

The authoritative reference and input builder live on the scoring server;
editing this copy changes nothing except your own understanding.
"""

import jax, jax.numpy as jnp
import numpy as np

SCALES = [32, 64, 128, 256, 512]
SHAPE_MULT = [256, 64, 16, 4, 1]


def setup_inputs(seed: int = 0) -> dict:
    key = jax.random.key(seed)
    k1, k2, k3, k4 = jax.random.split(key, 4)
    anchor_min = 64
    N = sum(SHAPE_MULT) * anchor_min  # 21824
    cx = jax.random.uniform(k1, (N,), minval=0.0, maxval=1024.0)
    cy = jax.random.uniform(k2, (N,), minval=0.0, maxval=1024.0)
    halves = []
    for i, m in enumerate(SHAPE_MULT):
        halves.append(jnp.full((m * anchor_min,), 0.75 * float(SCALES[i]), dtype=jnp.float32))
    half = jnp.concatenate(halves)
    anchor = jnp.stack([cx - half, cy - half, cx + half, cy + half], axis=1).astype(jnp.float32)
    G = 200
    x0 = jax.random.uniform(k3, (G,), minval=0.0, maxval=700.0)
    y0 = jax.random.uniform(jax.random.fold_in(k3, 1), (G,), minval=0.0, maxval=700.0)
    w = jax.random.uniform(k4, (G,), minval=8.0, maxval=380.0)
    h = jax.random.uniform(jax.random.fold_in(k4, 1), (G,), minval=8.0, maxval=380.0)
    gts = jnp.stack([x0, y0, x0 + w, y0 + h], axis=1).astype(jnp.float32)
    return {"anchor": anchor, "gts": gts}


def reference(anchor, gts):
    N = anchor.shape[0]
    anchor_min = N // sum(SHAPE_MULT)
    counts = np.array(SHAPE_MULT) * anchor_min
    ends = np.cumsum(counts)
    starts = np.concatenate([[0], ends[:-1]])
    anchor_level_np = np.zeros(N, dtype=np.int32)
    for l, (s, e) in enumerate(zip(starts, ends)):
        anchor_level_np[s:e] = l
    anchor_level = jnp.asarray(anchor_level_np)
    lows = jnp.asarray([0.0] + [float(s) for s in SCALES[:-1]], dtype=jnp.float32)
    highs = jnp.asarray([float(s) for s in SCALES], dtype=jnp.float32)
    edge = jnp.sqrt((gts[:, 2] - gts[:, 0]) * (gts[:, 3] - gts[:, 1]))
    in_range = (edge[:, None] >= lows[None, :]) & (edge[:, None] < highs[None, :])
    p_level = jnp.argmax(in_range, axis=1)  # first matching range, as in the torch loop
    cx = (gts[:, 0] + gts[:, 2]) / 2.0
    cy = (gts[:, 1] + gts[:, 3]) / 2.0
    inside = (
        (cx[:, None] > anchor[None, :, 0])
        & (cy[:, None] > anchor[None, :, 1])
        & (cx[:, None] < anchor[None, :, 2])
        & (cy[:, None] < anchor[None, :, 3])
    )
    level_match = p_level[:, None] == anchor_level[None, :]
    mask = inside & level_match
    G = gts.shape[0]
    idxm = jnp.where(mask, jnp.arange(G, dtype=jnp.int32)[:, None], jnp.int32(-2))
    # torch loop overwrites assign_index with increasing gt index i, so the
    # largest matching gt index wins; unmatched anchors stay at -2
    assign_index = jnp.max(idxm, axis=0).astype(jnp.int64)
    return assign_index

if __name__ == "__main__":
    import jax
    _d = setup_inputs()
    print(jax.jit(kernel)(*tuple(_d.values())))

</pallas_src>

<mosaic_0001>
#map = affine_map<(d0, d1) -> (0)>
module attributes {stable_mosaic.version = 14 : i64} {
  func.func @_sc_body(%arg0: i32, %arg1: i32, %arg2: memref<21824xf32, #tpu.memory_space<hbm>>, %arg3: memref<21824xf32, #tpu.memory_space<hbm>>, %arg4: memref<21824xf32, #tpu.memory_space<hbm>>, %arg5: memref<21824xf32, #tpu.memory_space<hbm>>, %arg6: memref<832xf32, #tpu.memory_space<hbm>>, %arg7: memref<21824xi32, #tpu.memory_space<hbm>>, %arg8: memref<2752xf32, #tpu.memory_space<vmem>>, %arg9: memref<832xf32, #tpu.memory_space<vmem>>, %arg10: memref<1120xf32, #tpu.memory_space<vmem>>, %arg11: memref<1120xf32, #tpu.memory_space<vmem>>, %arg12: memref<1120xi32, #tpu.memory_space<vmem>>, %arg13: memref<688xi32, #tpu.memory_space<vmem>>, %arg14: memref<!tpu.dma_semaphore, #tpu.memory_space<semaphore_mem>>, %arg15: memref<!tpu.dma_semaphore, #tpu.memory_space<semaphore_mem>>, %arg16: memref<!tpu.dma_semaphore, #tpu.memory_space<semaphore_mem>>, %arg17: memref<!tpu.dma_semaphore, #tpu.memory_space<semaphore_mem>>, %arg18: memref<!tpu.dma_semaphore, #tpu.memory_space<semaphore_mem>>) attributes {dimension_semantics = [#tpu.dimension_semantics<core_parallel>, #tpu.dimension_semantics<subcore_parallel>], iteration_bounds = array<i64: 2, 16>, scalar_prefetch = 0 : i64, scratch_operands = 11 : i64, tpu.core_type = #tpu.core_type<sc_vector_subcore>, window_params = [{transform_indices = #map}, {transform_indices = #map}, {transform_indices = #map}, {transform_indices = #map}, {transform_indices = #map}, {transform_indices = #map}]} {
    %mul3A = arith.constant 2 : i32
    %mul3A_0 = arith.muli %arg1, %mul3A : i32
    %add3A = arith.addi %mul3A_0, %arg0 : i32
    tpu.enqueue_dma source(%arg6 : memref<832xf32, #tpu.memory_space<hbm>>) target(%arg9 : memref<832xf32, #tpu.memory_space<vmem>>) target_semaphore(%arg14 : memref<!tpu.dma_semaphore, #tpu.memory_space<semaphore_mem>>)
    %mul3A_1 = arith.constant 512 : i32
    %mul3A_2 = arith.muli %mul3A_1, %add3A : i32
    %add3A_3 = arith.constant 0 : i32
    %add3A_4 = arith.addi %add3A_3, %mul3A_2 : i32
    %multiple_of3A = tpu.assume_multiple %add3A_4, 16 : i32
    %dma_start3A = arith.constant 0 : i32
    %dma_start3A_5 = tpu.memref_slice %arg8[%dma_start3A] : memref<2752xf32, #tpu.memory_space<vmem>> -> memref<512xf32, #tpu.memory_space<vmem>>
    %dma_start3A_6 = tpu.memref_slice %arg2[%multiple_of3A] : memref<21824xf32, #tpu.memory_space<hbm>> -> memref<512xf32, #tpu.memory_space<hbm>>
    %dma_start3A_7 = arith.constant 0 : i32
    %dma_start3A_8 = tpu.memref_slice %arg8[%dma_start3A_7] : memref<2752xf32, #tpu.memory_space<vmem>> -> memref<512xf32, #tpu.memory_space<vmem>>
    %dma_start3A_9 = tpu.memref_slice %arg2[%multiple_of3A] : memref<21824xf32, #tpu.memory_space<hbm>> -> memref<512xf32, #tpu.memory_space<hbm>>
    tpu.enqueue_dma source(%dma_start3A_9 : memref<512xf32, #tpu.memory_space<hbm>>) target(%dma_start3A_8 : memref<512xf32, #tpu.memory_space<vmem>>) target_semaphore(%arg15 : memref<!tpu.dma_semaphore, #tpu.memory_space<semaphore_mem>>)
    %dma_start3A_10 = arith.constant 688 : i32
    %dma_start3A_11 = tpu.memref_slice %arg8[%dma_start3A_10] : memref<2752xf32, #tpu.memory_space<vmem>> -> memref<512xf32, #tpu.memory_space<vmem>>
    %dma_start3A_12 = tpu.memref_slice %arg3[%multiple_of3A] : memref<21824xf32, #tpu.memory_space<hbm>> -> memref<512xf32, #tpu.memory_space<hbm>>
    %dma_start3A_13 = arith.constant 688 : i32
    %dma_start3A_14 = tpu.memref_slice %arg8[%dma_start3A_13] : memref<2752xf32, #tpu.memory_space<vmem>> -> memref<512xf32, #tpu.memory_space<vmem>>
    %dma_start3A_15 = tpu.memref_slice %arg3[%multiple_of3A] : memref<21824xf32, #tpu.memory_space<hbm>> -> memref<512xf32, #tpu.memory_space<hbm>>
    tpu.enqueue_dma source(%dma_start3A_15 : memref<512xf32, #tpu.memory_space<hbm>>) target(%dma_start3A_14 : memref<512xf32, #tpu.memory_space<vmem>>) target_semaphore(%arg15 : memref<!tpu.dma_semaphore, #tpu.memory_space<semaphore_mem>>)
    %dma_start3A_16 = arith.constant 1376 : i32
    %dma_start3A_17 = tpu.memref_slice %arg8[%dma_start3A_16] : memref<2752xf32, #tpu.memory_space<vmem>> -> memref<512xf32, #tpu.memory_space<vmem>>
    %dma_start3A_18 = tpu.memref_slice %arg4[%multiple_of3A] : memref<21824xf32, #tpu.memory_space<hbm>> -> memref<512xf32, #tpu.memory_space<hbm>>
    %dma_start3A_19 = arith.constant 1376 : i32
    %dma_start3A_20 = tpu.memref_slice %arg8[%dma_start3A_19] : memref<2752xf32, #tpu.memory_space<vmem>> -> memref<512xf32, #tpu.memory_space<vmem>>
    %dma_start3A_21 = tpu.memref_slice %arg4[%multiple_of3A] : memref<21824xf32, #tpu.memory_space<hbm>> -> memref<512xf32, #tpu.memory_space<hbm>>
    tpu.enqueue_dma source(%dma_start3A_21 : memref<512xf32, #tpu.memory_space<hbm>>) target(%dma_start3A_20 : memref<512xf32, #tpu.memory_space<vmem>>) target_semaphore(%arg15 : memref<!tpu.dma_semaphore, #tpu.memory_space<semaphore_mem>>)
    %dma_start3A_22 = arith.constant 2064 : i32
    %dma_start3A_23 = tpu.memref_slice %arg8[%dma_start3A_22] : memref<2752xf32, #tpu.memory_space<vmem>> -> memref<512xf32, #tpu.memory_space<vmem>>
    %dma_start3A_24 = tpu.memref_slice %arg5[%multiple_of3A] : memref<21824xf32, #tpu.memory_space<hbm>> -> memref<512xf32, #tpu.memory_space<hbm>>
    %dma_start3A_25 = arith.constant 2064 : i32
    %dma_start3A_26 = tpu.memref_slice %arg8[%dma_start3A_25] : memref<2752xf32, #tpu.memory_space<vmem>> -> memref<512xf32, #tpu.memory_space<vmem>>
    %dma_start3A_27 = tpu.memref_slice %arg5[%multiple_of3A] : memref<21824xf32, #tpu.memory_space<hbm>> -> memref<512xf32, #tpu.memory_space<hbm>>
    tpu.enqueue_dma source(%dma_start3A_27 : memref<512xf32, #tpu.memory_space<hbm>>) target(%dma_start3A_26 : memref<512xf32, #tpu.memory_space<vmem>>) target_semaphore(%arg15 : memref<!tpu.dma_semaphore, #tpu.memory_space<semaphore_mem>>)
    %mul3A_28 = arith.constant 128 : i32
    %mul3A_29 = arith.muli %mul3A_28, %add3A : i32
    %add3A_30 = arith.constant 16384 : i32
    %add3A_31 = arith.addi %add3A_30, %mul3A_29 : i32
    %multiple_of3A_32 = tpu.assume_multiple %add3A_31, 16 : i32
    %dma_start3A_33 = arith.constant 512 : i32
    %dma_start3A_34 = tpu.memref_slice %arg8[%dma_start3A_33] : memref<2752xf32, #tpu.memory_space<vmem>> -> memref<128xf32, #tpu.memory_space<vmem>>
    %dma_start3A_35 = tpu.memref_slice %arg2[%multiple_of3A_32] : memref<21824xf32, #tpu.memory_space<hbm>> -> memref<128xf32, #tpu.memory_space<hbm>>
    %dma_start3A_36 = arith.constant 512 : i32
    %dma_start3A_37 = tpu.memref_slice %arg8[%dma_start3A_36] : memref<2752xf32, #tpu.memory_space<vmem>> -> memref<128xf32, #tpu.memory_space<vmem>>
    %dma_start3A_38 = tpu.memref_slice %arg2[%multiple_of3A_32] : memref<21824xf32, #tpu.memory_space<hbm>> -> memref<128xf32, #tpu.memory_space<hbm>>
    tpu.enqueue_dma source(%dma_start3A_38 : memref<128xf32, #tpu.memory_space<hbm>>) target(%dma_start3A_37 : memref<128xf32, #tpu.memory_space<vmem>>) target_semaphore(%arg16 : memref<!tpu.dma_semaphore, #tpu.memory_space<semaphore_mem>>)
    %dma_start3A_39 = arith.constant 1200 : i32
    %dma_start3A_40 = tpu.memref_slice %arg8[%dma_start3A_39] : memref<2752xf32, #tpu.memory_space<vmem>> -> memref<128xf32, #tpu.memory_space<vmem>>
    %dma_start3A_41 = tpu.memref_slice %arg3[%multiple_of3A_32] : memref<21824xf32, #tpu.memory_space<hbm>> -> memref<128xf32, #tpu.memory_space<hbm>>
    %dma_start3A_42 = arith.constant 1200 : i32
    %dma_start3A_43 = tpu.memref_slice %arg8[%dma_start3A_42] : memref<2752xf32, #tpu.memory_space<vmem>> -> memref<128xf32, #tpu.memory_space<vmem>>
    %dma_start3A_44 = tpu.memref_slice %arg3[%multiple_of3A_32] : memref<21824xf32, #tpu.memory_space<hbm>> -> memref<128xf32, #tpu.memory_space<hbm>>
    tpu.enqueue_dma source(%dma_start3A_44 : memref<128xf32, #tpu.memory_space<hbm>>) target(%dma_start3A_43 : memref<128xf32, #tpu.memory_space<vmem>>) target_semaphore(%arg16 : memref<!tpu.dma_semaphore, #tpu.memory_space<semaphore_mem>>)
    %dma_start3A_45 = arith.constant 1888 : i32
    %dma_start3A_46 = tpu.memref_slice %arg8[%dma_start3A_45] : memref<2752xf32, #tpu.memory_space<vmem>> -> memref<128xf32, #tpu.memory_space<vmem>>
    %dma_start3A_47 = tpu.memref_slice %arg4[%multiple_of3A_32] : memref<21824xf32, #tpu.memory_space<hbm>> -> memref<128xf32, #tpu.memory_space<hbm>>
    %dma_start3A_48 = arith.constant 1888 : i32
    %dma_start3A_49 = tpu.memref_slice %arg8[%dma_start3A_48] : memref<2752xf32, #tpu.memory_space<vmem>> -> memref<128xf32, #tpu.memory_space<vmem>>
    %dma_start3A_50 = tpu.memref_slice %arg4[%multiple_of3A_32] : memref<21824xf32, #tpu.memory_space<hbm>> -> memref<128xf32, #tpu.memory_space<hbm>>
    tpu.enqueue_dma source(%dma_start3A_50 : memref<128xf32, #tpu.memory_space<hbm>>) target(%dma_start3A_49 : memref<128xf32, #tpu.memory_space<vmem>>) target_semaphore(%arg16 : memref<!tpu.dma_semaphore, #tpu.memory_space<semaphore_mem>>)
    %dma_start3A_51 = arith.constant 2576 : i32
    %dma_start3A_52 = tpu.memref_slice %arg8[%dma_start3A_51] : memref<2752xf32, #tpu.memory_space<vmem>> -> memref<128xf32, #tpu.memory_space<vmem>>
    %dma_start3A_53 = tpu.memref_slice %arg5[%multiple_of3A_32] : memref<21824xf32, #tpu.memory_space<hbm>> -> memref<128xf32, #tpu.memory_space<hbm>>
    %dma_start3A_54 = arith.constant 2576 : i32
    %dma_start3A_55 = tpu.memref_slice %arg8[%dma_start3A_54] : memref<2752xf32, #tpu.memory_space<vmem>> -> memref<128xf32, #tpu.memory_space<vmem>>
    %dma_start3A_56 = tpu.memref_slice %arg5[%multiple_of3A_32] : memref<21824xf32, #tpu.memory_space<hbm>> -> memref<128xf32, #tpu.memory_space<hbm>>
    tpu.enqueue_dma source(%dma_start3A_56 : memref<128xf32, #tpu.memory_space<hbm>>) target(%dma_start3A_55 : memref<128xf32, #tpu.memory_space<vmem>>) target_semaphore(%arg16 : memref<!tpu.dma_semaphore, #tpu.memory_space<semaphore_mem>>)
    %mul3A_57 = arith.constant 32 : i32
    %mul3A_58 = arith.muli %mul3A_57, %add3A : i32
    %add3A_59 = arith.constant 20480 : i32
    %add3A_60 = arith.addi %add3A_59, %mul3A_58 : i32
    %multiple_of3A_61 = tpu.assume_multiple %add3A_60, 16 : i32
    %dma_start3A_62 = arith.constant 640 : i32
    %dma_start3A_63 = tpu.memref_slice %arg8[%dma_start3A_62] : memref<2752xf32, #tpu.memory_space<vmem>> -> memref<32xf32, #tpu.memory_space<vmem>>
    %dma_start3A_64 = tpu.memref_slice %arg2[%multiple_of3A_61] : memref<21824xf32, #tpu.memory_space<hbm>> -> memref<32xf32, #tpu.memory_space<hbm>>
    %dma_start3A_65 = arith.constant 640 : i32
    %dma_start3A_66 = tpu.memref_slice %arg8[%dma_start3A_65] : memref<2752xf32, #tpu.memory_space<vmem>> -> memref<32xf32, #tpu.memory_space<vmem>>
    %dma_start3A_67 = tpu.memref_slice %arg2[%multiple_of3A_61] : memref<21824xf32, #tpu.memory_space<hbm>> -> memref<32xf32, #tpu.memory_space<hbm>>
    tpu.enqueue_dma source(%dma_start3A_67 : memref<32xf32, #tpu.memory_space<hbm>>) target(%dma_start3A_66 : memref<32xf32, #tpu.memory_space<vmem>>) target_semaphore(%arg17 : memref<!tpu.dma_semaphore, #tpu.memory_space<semaphore_mem>>)
    %dma_start3A_68 = arith.constant 1328 : i32
    %dma_start3A_69 = tpu.memref_slice %arg8[%dma_start3A_68] : memref<2752xf32, #tpu.memory_space<vmem>> -> memref<32xf32, #tpu.memory_space<vmem>>
    %dma_start3A_70 = tpu.memref_slice %arg3[%multiple_of3A_61] : memref<21824xf32, #tpu.memory_space<hbm>> -> memref<32xf32, #tpu.memory_space<hbm>>
    %dma_start3A_71 = arith.constant 1328 : i32
    %dma_start3A_72 = tpu.memref_slice %arg8[%dma_start3A_71] : memref<2752xf32, #tpu.memory_space<vmem>> -> memref<32xf32, #tpu.memory_space<vmem>>
    %dma_start3A_73 = tpu.memref_slice %arg3[%multiple_of3A_61] : memref<21824xf32, #tpu.memory_space<hbm>> -> memref<32xf32, #tpu.memory_space<hbm>>
    tpu.enqueue_dma source(%dma_start3A_73 : memref<32xf32, #tpu.memory_space<hbm>>) target(%dma_start3A_72 : memref<32xf32, #tpu.memory_space<vmem>>) target_semaphore(%arg17 : memref<!tpu.dma_semaphore, #tpu.memory_space<semaphore_mem>>)
    %dma_start3A_74 = arith.constant 2016 : i32
    %dma_start3A_75 = tpu.memref_slice %arg8[%dma_start3A_74] : memref<2752xf32, #tpu.memory_space<vmem>> -> memref<32xf32, #tpu.memory_space<vmem>>
    %dma_start3A_76 = tpu.memref_slice %arg4[%multiple_of3A_61] : memref<21824xf32, #tpu.memory_space<hbm>> -> memref<32xf32, #tpu.memory_space<hbm>>
    %dma_start3A_77 = arith.constant 2016 : i32
    %dma_start3A_78 = tpu.memref_slice %arg8[%dma_start3A_77] : memref<2752xf32, #tpu.memory_space<vmem>> -> memref<32xf32, #tpu.memory_space<vmem>>
    %dma_start3A_79 = tpu.memref_slice %arg4[%multiple_of3A_61] : memref<21824xf32, #tpu.memory_space<hbm>> -> memref<32xf32, #tpu.memory_space<hbm>>
    tpu.enqueue_dma source(%dma_start3A_79 : memref<32xf32, #tpu.memory_space<hbm>>) target(%dma_start3A_78 : memref<32xf32, #tpu.memory_space<vmem>>) target_semaphore(%arg17 : memref<!tpu.dma_semaphore, #tpu.memory_space<semaphore_mem>>)
    %dma_start3A_80 = arith.constant 2704 : i32
    %dma_start3A_81 = tpu.memref_slice %arg8[%dma_start3A_80] : memref<2752xf32, #tpu.memory_space<vmem>> -> memref<32xf32, #tpu.memory_space<vmem>>
    %dma_start3A_82 = tpu.memref_slice %arg5[%multiple_of3A_61] : memref<21824xf32, #tpu.memory_space<hbm>> -> memref<32xf32, #tpu.memory_space<hbm>>
    %dma_start3A_83 = arith.constant 2704 : i32
    %dma_start3A_84 = tpu.memref_slice %arg8[%dma_start3A_83] : memref<2752xf32, #tpu.memory_space<vmem>> -> memref<32xf32, #tpu.memory_space<vmem>>
    %dma_start3A_85 = tpu.memref_slice %arg5[%multiple_of3A_61] : memref<21824xf32, #tpu.memory_space<hbm>> -> memref<32xf32, #tpu.memory_space<hbm>>
    tpu.enqueue_dma source(%dma_start3A_85 : memref<32xf32, #tpu.memory_space<hbm>>) target(%dma_start3A_84 : memref<32xf32, #tpu.memory_space<vmem>>) target_semaphore(%arg17 : memref<!tpu.dma_semaphore, #tpu.memory_space<semaphore_mem>>)
    %lt3A = arith.constant 20 : i32
    %lt3A_86 = arith.cmpi slt, %add3A, %lt3A : i32
    %convert_element_type3A = arith.extui %lt3A_86 : i1 to i32
    %cond3A = arith.constant 0 : i32
    %cond3A_87 = arith.cmpi ne, %convert_element_type3A, %cond3A : i32
    scf.if %cond3A_87 {
      %mul3A_385 = arith.constant 16 : i32
      %mul3A_386 = arith.muli %mul3A_385, %add3A : i32
      %add3A_387 = arith.constant 21504 : i32
      %add3A_388 = arith.addi %add3A_387, %mul3A_386 : i32
      %multiple_of3A_389 = tpu.assume_multiple %add3A_388, 16 : i32
      %dma_start3A_390 = arith.constant 672 : i32
      %dma_start3A_391 = tpu.memref_slice %arg8[%dma_start3A_390] : memref<2752xf32, #tpu.memory_space<vmem>> -> memref<16xf32, #tpu.memory_space<vmem>>
      %dma_start3A_392 = tpu.memref_slice %arg2[%multiple_of3A_389] : memref<21824xf32, #tpu.memory_space<hbm>> -> memref<16xf32, #tpu.memory_space<hbm>>
      %dma_start3A_393 = arith.constant 672 : i32
      %dma_start3A_394 = tpu.memref_slice %arg8[%dma_start3A_393] : memref<2752xf32, #tpu.memory_space<vmem>> -> memref<16xf32, #tpu.memory_space<vmem>>
      %dma_start3A_395 = tpu.memref_slice %arg2[%multiple_of3A_389] : memref<21824xf32, #tpu.memory_space<hbm>> -> memref<16xf32, #tpu.memory_space<hbm>>
      tpu.enqueue_dma source(%dma_start3A_395 : memref<16xf32, #tpu.memory_space<hbm>>) target(%dma_start3A_394 : memref<16xf32, #tpu.memory_space<vmem>>) target_semaphore(%arg18 : memref<!tpu.dma_semaphore, #tpu.memory_space<semaphore_mem>>)
      %dma_start3A_396 = arith.constant 1360 : i32
      %dma_start3A_397 = tpu.memref_slice %arg8[%dma_start3A_396] : memref<2752xf32, #tpu.memory_space<vmem>> -> memref<16xf32, #tpu.memory_space<vmem>>
      %dma_start3A_398 = tpu.memref_slice %arg3[%multiple_of3A_389] : memref<21824xf32, #tpu.memory_space<hbm>> -> memref<16xf32, #tpu.memory_space<hbm>>
      %dma_start3A_399 = arith.constant 1360 : i32
      %dma_start3A_400 = tpu.memref_slice %arg8[%dma_start3A_399] : memref<2752xf32, #tpu.memory_space<vmem>> -> memref<16xf32, #tpu.memory_space<vmem>>
      %dma_start3A_401 = tpu.memref_slice %arg3[%multiple_of3A_389] : memref<21824xf32, #tpu.memory_space<hbm>> -> memref<16xf32, #tpu.memory_space<hbm>>
      tpu.enqueue_dma source(%dma_start3A_401 : memref<16xf32, #tpu.memory_space<hbm>>) target(%dma_start3A_400 : memref<16xf32, #tpu.memory_space<vmem>>) target_semaphore(%arg18 : memref<!tpu.dma_semaphore, #tpu.memory_space<semaphore_mem>>)
      %dma_start3A_402 = arith.constant 2048 : i32
      %dma_start3A_403 = tpu.memref_slice %arg8[%dma_start3A_402] : memref<2752xf32, #tpu.memory_space<vmem>> -> memref<16xf32, #tpu.memory_space<vmem>>
      %dma_start3A_404 = tpu.memref_slice %arg4[%multiple_of3A_389] : memref<21824xf32, #tpu.memory_space<hbm>> -> memref<16xf32, #tpu.memory_space<hbm>>
      %dma_start3A_405 = arith.constant 2048 : i32
      %dma_start3A_406 = tpu.memref_slice %arg8[%dma_start3A_405] : memref<2752xf32, #tpu.memory_space<vmem>> -> memref<16xf32, #tpu.memory_space<vmem>>
      %dma_start3A_407 = tpu.memref_slice %arg4[%multiple_of3A_389] : memref<21824xf32, #tpu.memory_space<hbm>> -> memref<16xf32, #tpu.memory_space<hbm>>
      tpu.enqueue_dma source(%dma_start3A_407 : memref<16xf32, #tpu.memory_space<hbm>>) target(%dma_start3A_406 : memref<16xf32, #tpu.memory_space<vmem>>) target_semaphore(%arg18 : memref<!tpu.dma_semaphore, #tpu.memory_space<semaphore_mem>>)
      %dma_start3A_408 = arith.constant 2736 : i32
      %dma_start3A_409 = tpu.memref_slice %arg8[%dma_start3A_408] : memref<2752xf32, #tpu.memory_space<vmem>> -> memref<16xf32, #tpu.memory_space<vmem>>
      %dma_start3A_410 = tpu.memref_slice %arg5[%multiple_of3A_389] : memref<21824xf32, #tpu.memory_space<hbm>> -> memref<16xf32, #tpu.memory_space<hbm>>
      %dma_start3A_411 = arith.constant 2736 : i32
      %dma_start3A_412 = tpu.memref_slice %arg8[%dma_start3A_411] : memref<2752xf32, #tpu.memory_space<vmem>> -> memref<16xf32, #tpu.memory_space<vmem>>
      %dma_start3A_413 = tpu.memref_slice %arg5[%multiple_of3A_389] : memref<21824xf32, #tpu.memory_space<hbm>> -> memref<16xf32, #tpu.memory_space<hbm>>
      tpu.enqueue_dma source(%dma_start3A_413 : memref<16xf32, #tpu.memory_space<hbm>>) target(%dma_start3A_412 : memref<16xf32, #tpu.memory_space<vmem>>) target_semaphore(%arg18 : memref<!tpu.dma_semaphore, #tpu.memory_space<semaphore_mem>>)
      %dma_wait3A_414 = arith.constant 672 : i32
      %dma_wait3A_415 = tpu.memref_slice %arg8[%dma_wait3A_414] : memref<2752xf32, #tpu.memory_space<vmem>> -> memref<16xf32, #tpu.memory_space<vmem>>
      %dma_wait3A_416 = tpu.memref_slice %arg2[%multiple_of3A_389] : memref<21824xf32, #tpu.memory_space<hbm>> -> memref<16xf32, #tpu.memory_space<hbm>>
      %dma_wait3A_417 = arith.constant 672 : i32
      %dma_wait3A_418 = tpu.memref_slice %arg8[%dma_wait3A_417] : memref<2752xf32, #tpu.memory_space<vmem>> -> memref<16xf32, #tpu.memory_space<vmem>>
      %dma_wait3A_419 = tpu.memref_slice %arg2[%multiple_of3A_389] : memref<21824xf32, #tpu.memory_space<hbm>> -> memref<16xf32, #tpu.memory_space<hbm>>
      tpu.wait_dma2 semaphore(%arg18 : memref<!tpu.dma_semaphore, #tpu.memory_space<semaphore_mem>>) src(%dma_wait3A_419 : memref<16xf32, #tpu.memory_space<hbm>>) dst(%dma_wait3A_418 : memref<16xf32, #tpu.memory_space<vmem>>)
      %dma_wait3A_420 = arith.constant 1360 : i32
      %dma_wait3A_421 = tpu.memref_slice %arg8[%dma_wait3A_420] : memref<2752xf32, #tpu.memory_space<vmem>> -> memref<16xf32, #tpu.memory_space<vmem>>
      %dma_wait3A_422 = tpu.memref_slice %arg3[%multiple_of3A_389] : memref<21824xf32, #tpu.memory_space<hbm>> -> memref<16xf32, #tpu.memory_space<hbm>>
      %dma_wait3A_423 = arith.constant 1360 : i32
      %dma_wait3A_424 = tpu.memref_slice %arg8[%dma_wait3A_423] : memref<2752xf32, #tpu.memory_space<vmem>> -> memref<16xf32, #tpu.memory_space<vmem>>
      %dma_wait3A_425 = tpu.memref_slice %arg3[%multiple_of3A_389] : memref<21824xf32, #tpu.memory_space<hbm>> -> memref<16xf32, #tpu.memory_space<hbm>>
      tpu.wait_dma2 semaphore(%arg18 : memref<!tpu.dma_semaphore, #tpu.memory_space<semaphore_mem>>) src(%dma_wait3A_425 : memref<16xf32, #tpu.memory_space<hbm>>) dst(%dma_wait3A_424 : memref<16xf32, #tpu.memory_space<vmem>>)
      %dma_wait3A_426 = arith.constant 2048 : i32
      %dma_wait3A_427 = tpu.memref_slice %arg8[%dma_wait3A_426] : memref<2752xf32, #tpu.memory_space<vmem>> -> memref<16xf32, #tpu.memory_space<vmem>>
      %dma_wait3A_428 = tpu.memref_slice %arg4[%multiple_of3A_389] : memref<21824xf32, #tpu.memory_space<hbm>> -> memref<16xf32, #tpu.memory_space<hbm>>
      %dma_wait3A_429 = arith.constant 2048 : i32
      %dma_wait3A_430 = tpu.memref_slice %arg8[%dma_wait3A_429] : memref<2752xf32, #tpu.memory_space<vmem>> -> memref<16xf32, #tpu.memory_space<vmem>>
      %dma_wait3A_431 = tpu.memref_slice %arg4[%multiple_of3A_389] : memref<21824xf32, #tpu.memory_space<hbm>> -> memref<16xf32, #tpu.memory_space<hbm>>
      tpu.wait_dma2 semaphore(%arg18 : memref<!tpu.dma_semaphore, #tpu.memory_space<semaphore_mem>>) src(%dma_wait3A_431 : memref<16xf32, #tpu.memory_space<hbm>>) dst(%dma_wait3A_430 : memref<16xf32, #tpu.memory_space<vmem>>)
      %dma_wait3A_432 = arith.constant 2736 : i32
      %dma_wait3A_433 = tpu.memref_slice %arg8[%dma_wait3A_432] : memref<2752xf32, #tpu.memory_space<vmem>> -> memref<16xf32, #tpu.memory_space<vmem>>
      %dma_wait3A_434 = tpu.memref_slice %arg5[%multiple_of3A_389] : memref<21824xf32, #tpu.memory_space<hbm>> -> memref<16xf32, #tpu.memory_space<hbm>>
      %dma_wait3A_435 = arith.constant 2736 : i32
      %dma_wait3A_436 = tpu.memref_slice %arg8[%dma_wait3A_435] : memref<2752xf32, #tpu.memory_space<vmem>> -> memref<16xf32, #tpu.memory_space<vmem>>
      %dma_wait3A_437 = tpu.memref_slice %arg5[%multiple_of3A_389] : memref<21824xf32, #tpu.memory_space<hbm>> -> memref<16xf32, #tpu.memory_space<hbm>>
      tpu.wait_dma2 semaphore(%arg18 : memref<!tpu.dma_semaphore, #tpu.memory_space<semaphore_mem>>) src(%dma_wait3A_437 : memref<16xf32, #tpu.memory_space<hbm>>) dst(%dma_wait3A_436 : memref<16xf32, #tpu.memory_space<vmem>>)
    } else {
    }
    %broadcast_in_dim3A = arith.constant 2.000000e+09 : f32
    %broadcast_in_dim3A_88 = vector.broadcast %broadcast_in_dim3A : f32 to vector<16xf32>
    %iota3A = tpu.iota {dimensions = array<i32: 0>} : vector<16xi32>
    tpu.wait_dma2 semaphore(%arg14 : memref<!tpu.dma_semaphore, #tpu.memory_space<semaphore_mem>>) src(%arg6 : memref<832xf32, #tpu.memory_space<hbm>>) dst(%arg9 : memref<832xf32, #tpu.memory_space<vmem>>)
    %broadcast_in_dim3A_89 = arith.constant 0 : i32
    %broadcast_in_dim3A_90 = vector.broadcast %broadcast_in_dim3A_89 : i32 to vector<16xi32>
    %broadcast_in_dim3A_91 = arith.constant 0 : i32
    %broadcast_in_dim3A_92 = vector.broadcast %broadcast_in_dim3A_91 : i32 to vector<16xi32>
    %broadcast_in_dim3A_93 = arith.constant 0 : i32
    %broadcast_in_dim3A_94 = vector.broadcast %broadcast_in_dim3A_93 : i32 to vector<16xi32>
    %broadcast_in_dim3A_95 = arith.constant 0 : i32
    %broadcast_in_dim3A_96 = vector.broadcast %broadcast_in_dim3A_95 : i32 to vector<16xi32>
    %broadcast_in_dim3A_97 = arith.constant 0 : i32
    %broadcast_in_dim3A_98 = vector.broadcast %broadcast_in_dim3A_97 : i32 to vector<16xi32>
    %scan3A = arith.constant 0 : i32
    %scan3A_99 = arith.constant 13 : i32
    %scan3A_100 = arith.addi %scan3A, %scan3A_99 : i32
    %scan3A_101 = arith.constant 1 : i32
    %scan3A_102:5 = scf.for %scan3A_385 = %scan3A to %scan3A_100 step %scan3A_101 iter_args(%scan3A_386 = %broadcast_in_dim3A_90, %scan3A_387 = %broadcast_in_dim3A_92, %scan3A_388 = %broadcast_in_dim3A_94, %scan3A_389 = %broadcast_in_dim3A_96, %scan3A_390 = %broadcast_in_dim3A_98) -> (vector<16xi32>, vector<16xi32>, vector<16xi32>, vector<16xi32>, vector<16xi32>)  : i32 {
      %mul3A_391 = arith.constant 16 : i32
      %mul3A_392 = arith.muli %scan3A_385, %mul3A_391 : i32
      %add3A_393 = arith.constant 0 : i32
      %add3A_394 = arith.addi %add3A_393, %mul3A_392 : i32
      %get3A = arith.index_cast %add3A_394 : i32 to index
      %get3A_395 = tpu.vector_load %arg9[%get3A] {strides = array<i32>} : memref<832xf32, #tpu.memory_space<vmem>>, vector<16xf32>,
      %add3A_396 = arith.constant 208 : i32
      %add3A_397 = arith.addi %add3A_396, %mul3A_392 : i32
      %get3A_398 = arith.index_cast %add3A_397 : i32 to index
      %get3A_399 = tpu.vector_load %arg9[%get3A_398] {strides = array<i32>} : memref<832xf32, #tpu.memory_space<vmem>>, vector<16xf32>,
      %add3A_400 = arith.constant 416 : i32
      %add3A_401 = arith.addi %add3A_400, %mul3A_392 : i32
      %get3A_402 = arith.index_cast %add3A_401 : i32 to index
      %get3A_403 = tpu.vector_load %arg9[%get3A_402] {strides = array<i32>} : memref<832xf32, #tpu.memory_space<vmem>>, vector<16xf32>,
      %add3A_404 = arith.constant 624 : i32
      %add3A_405 = arith.addi %add3A_404, %mul3A_392 : i32
      %get3A_406 = arith.index_cast %add3A_405 : i32 to index
      %get3A_407 = tpu.vector_load %arg9[%get3A_406] {strides = array<i32>} : memref<832xf32, #tpu.memory_space<vmem>>, vector<16xf32>,
      %sub3A = arith.subf %get3A_403, %get3A_395 : vector<16xf32>
      %sub3A_408 = arith.subf %get3A_407, %get3A_399 : vector<16xf32>
      %mul3A_409 = arith.mulf %sub3A, %sub3A_408 : vector<16xf32>
      %broadcast_in_dim3A_410 = arith.constant 0.000000e+00 : f32
      %broadcast_in_dim3A_411 = vector.broadcast %broadcast_in_dim3A_410 : f32 to vector<16xf32>
      %ge3A = arith.constant 1.024000e+03 : f32
      %ge3A_412 = vector.broadcast %ge3A : f32 to vector<16xf32>
      %ge3A_413 = arith.cmpf oge, %mul3A_409, %ge3A_412 : vector<16xf32>
      %jit3A_414 = arith.constant 1.000000e+00 : f32
      %jit3A_415 = arith.constant 0.000000e+00 : f32
      %broadcast_in_dim3A_416 = vector.broadcast %jit3A_414 : f32 to vector<16xf32>
      %broadcast_in_dim3A_417 = vector.broadcast %jit3A_415 : f32 to vector<16xf32>
      %select_n3A_418 = arith.select %ge3A_413, %broadcast_in_dim3A_416, %broadcast_in_dim3A_417 : vector<16xi1>, vector<16xf32>
      %add3A_419 = arith.addf %broadcast_in_dim3A_411, %select_n3A_418 : vector<16xf32>
      %ge3A_420 = arith.constant 4.096000e+03 : f32
      %ge3A_421 = vector.broadcast %ge3A_420 : f32 to vector<16xf32>
      %ge3A_422 = arith.cmpf oge, %mul3A_409, %ge3A_421 : vector<16xf32>
      %jit3A_423 = arith.constant 1.000000e+00 : f32
      %jit3A_424 = arith.constant 0.000000e+00 : f32
      %broadcast_in_dim3A_425 = vector.broadcast %jit3A_423 : f32 to vector<16xf32>
      %broadcast_in_dim3A_426 = vector.broadcast %jit3A_424 : f32 to vector<16xf32>
      %select_n3A_427 = arith.select %ge3A_422, %broadcast_in_dim3A_425, %broadcast_in_dim3A_426 : vector<16xi1>, vector<16xf32>
      %add3A_428 = arith.addf %add3A_419, %select_n3A_427 : vector<16xf32>
      %ge3A_429 = arith.constant 1.638400e+04 : f32
      %ge3A_430 = vector.broadcast %ge3A_429 : f32 to vector<16xf32>
      %ge3A_431 = arith.cmpf oge, %mul3A_409, %ge3A_430 : vector<16xf32>
      %jit3A_432 = arith.constant 1.000000e+00 : f32
      %jit3A_433 = arith.constant 0.000000e+00 : f32
      %broadcast_in_dim3A_434 = vector.broadcast %jit3A_432 : f32 to vector<16xf32>
      %broadcast_in_dim3A_435 = vector.broadcast %jit3A_433 : f32 to vector<16xf32>
      %select_n3A_436 = arith.select %ge3A_431, %broadcast_in_dim3A_434, %broadcast_in_dim3A_435 : vector<16xi1>, vector<16xf32>
      %add3A_437 = arith.addf %add3A_428, %select_n3A_436 : vector<16xf32>
      %ge3A_438 = arith.constant 6.553600e+04 : f32
      %ge3A_439 = vector.broadcast %ge3A_438 : f32 to vector<16xf32>
      %ge3A_440 = arith.cmpf oge, %mul3A_409, %ge3A_439 : vector<16xf32>
      %jit3A_441 = arith.constant 1.000000e+00 : f32
      %jit3A_442 = arith.constant 0.000000e+00 : f32
      %broadcast_in_dim3A_443 = vector.broadcast %jit3A_441 : f32 to vector<16xf32>
      %broadcast_in_dim3A_444 = vector.broadcast %jit3A_442 : f32 to vector<16xf32>
      %select_n3A_445 = arith.select %ge3A_440, %broadcast_in_dim3A_443, %broadcast_in_dim3A_444 : vector<16xi1>, vector<16xf32>
      %add3A_446 = arith.addf %add3A_437, %select_n3A_445 : vector<16xf32>
      %ge3A_447 = arith.constant 2.621440e+05 : f32
      %ge3A_448 = vector.broadcast %ge3A_447 : f32 to vector<16xf32>
      %ge3A_449 = arith.cmpf oge, %mul3A_409, %ge3A_448 : vector<16xf32>
      %jit3A_450 = arith.constant 0.000000e+00 : f32
      %broadcast_in_dim3A_451 = vector.broadcast %jit3A_450 : f32 to vector<16xf32>
      %select_n3A_452 = arith.select %ge3A_449, %broadcast_in_dim3A_451, %add3A_446 : vector<16xi1>, vector<16xf32>
      %add3A_453 = arith.addf %get3A_395, %get3A_403 : vector<16xf32>
      %mul3A_454 = arith.constant 5.000000e-01 : f32
      %mul3A_455 = vector.broadcast %mul3A_454 : f32 to vector<16xf32>
      %mul3A_456 = arith.mulf %add3A_453, %mul3A_455 : vector<16xf32>
      %add3A_457 = arith.addf %get3A_399, %get3A_407 : vector<16xf32>
      %mul3A_458 = arith.constant 5.000000e-01 : f32
      %mul3A_459 = vector.broadcast %mul3A_458 : f32 to vector<16xf32>
      %mul3A_460 = arith.mulf %add3A_457, %mul3A_459 : vector<16xf32>
      %add3A_461 = vector.broadcast %mul3A_392 : i32 to vector<16xi32>
      %add3A_462 = arith.addi %iota3A, %add3A_461 : vector<16xi32>
      %lt3A_463 = arith.constant 200 : i32
      %lt3A_464 = vector.broadcast %lt3A_463 : i32 to vector<16xi32>
      %lt3A_465 = arith.cmpi slt, %add3A_462, %lt3A_464 : vector<16xi32>
      %eq3A = arith.constant 0.000000e+00 : f32
      %eq3A_466 = vector.broadcast %eq3A : f32 to vector<16xf32>
      %eq3A_467 = arith.cmpf oeq, %select_n3A_452, %eq3A_466 : vector<16xf32>
      %and3A = arith.andi %eq3A_467, %lt3A_465 : vector<16xi1>
      %convert_element_type3A_468 = arith.extui %and3A : vector<16xi1> to vector<16xi32>
      %broadcast_in_dim3A_469 = arith.constant true
      %broadcast_in_dim3A_470 = vector.broadcast %broadcast_in_dim3A_469 : i1 to vector<16xi1>
      %masked_cumsum3A = tpu.scan <sum>, %convert_element_type3A_468 masked %broadcast_in_dim3A_470 : vector<16xi32>, vector<16xi1> -> vector<16xi32>
      %add3A_471 = arith.addi %scan3A_386, %masked_cumsum3A : vector<16xi32>
      %add3A_472 = arith.constant -1 : i32
      %add3A_473 = vector.broadcast %add3A_472 : i32 to vector<16xi32>
      %add3A_474 = arith.addi %add3A_471, %add3A_473 : vector<16xi32>
      tpu.vector_store_idx %arg10[%add3A_474], %mul3A_456 masked %and3A : memref<1120xf32, #tpu.memory_space<vmem>>[vector<16xi32>], vector<16xf32>, vector<16xi1>
      tpu.vector_store_idx %arg11[%add3A_474], %mul3A_460 masked %and3A : memref<1120xf32, #tpu.memory_space<vmem>>[vector<16xi32>], vector<16xf32>, vector<16xi1>
      tpu.vector_store_idx %arg12[%add3A_474], %add3A_462 masked %and3A : memref<1120xi32, #tpu.memory_space<vmem>>[vector<16xi32>], vector<16xi32>, vector<16xi1>
      %all_reduce_population_count3A = tpu.all_reduce %and3A {dim = 0 : i64, kind = #tpu.reduction_kind<sum>} : vector<16xi1> -> vector<16xi32>
      %add3A_475 = arith.addi %scan3A_386, %all_reduce_population_count3A : vector<16xi32>
      %eq3A_476 = arith.constant 1.000000e+00 : f32
      %eq3A_477 = vector.broadcast %eq3A_476 : f32 to vector<16xf32>
      %eq3A_478 = arith.cmpf oeq, %select_n3A_452, %eq3A_477 : vector<16xf32>
      %and3A_479 = arith.andi %eq3A_478, %lt3A_465 : vector<16xi1>
      %convert_element_type3A_480 = arith.extui %and3A_479 : vector<16xi1> to vector<16xi32>
      %broadcast_in_dim3A_481 = arith.constant true
      %broadcast_in_dim3A_482 = vector.broadcast %broadcast_in_dim3A_481 : i1 to vector<16xi1>
      %masked_cumsum3A_483 = tpu.scan <sum>, %convert_element_type3A_480 masked %broadcast_in_dim3A_482 : vector<16xi32>, vector<16xi1> -> vector<16xi32>
      %add3A_484 = arith.addi %scan3A_387, %masked_cumsum3A_483 : vector<16xi32>
      %add3A_485 = arith.constant 223 : i32
      %add3A_486 = vector.broadcast %add3A_485 : i32 to vector<16xi32>
      %add3A_487 = arith.addi %add3A_484, %add3A_486 : vector<16xi32>
      tpu.vector_store_idx %arg10[%add3A_487], %mul3A_456 masked %and3A_479 : memref<1120xf32, #tpu.memory_space<vmem>>[vector<16xi32>], vector<16xf32>, vector<16xi1>
      tpu.vector_store_idx %arg11[%add3A_487], %mul3A_460 masked %and3A_479 : memref<1120xf32, #tpu.memory_space<vmem>>[vector<16xi32>], vector<16xf32>, vector<16xi1>
      tpu.vector_store_idx %arg12[%add3A_487], %add3A_462 masked %and3A_479 : memref<1120xi32, #tpu.memory_space<vmem>>[vector<16xi32>], vector<16xi32>, vector<16xi1>
      %all_reduce_population_count3A_488 = tpu.all_reduce %and3A_479 {dim = 0 : i64, kind = #tpu.reduction_kind<sum>} : vector<16xi1> -> vector<16xi32>
      %add3A_489 = arith.addi %scan3A_387, %all_reduce_population_count3A_488 : vector<16xi32>
      %eq3A_490 = arith.constant 2.000000e+00 : f32
      %eq3A_491 = vector.broadcast %eq3A_490 : f32 to vector<16xf32>
      %eq3A_492 = arith.cmpf oeq, %select_n3A_452, %eq3A_491 : vector<16xf32>
      %and3A_493 = arith.andi %eq3A_492, %lt3A_465 : vector<16xi1>
      %convert_element_type3A_494 = arith.extui %and3A_493 : vector<16xi1> to vector<16xi32>
      %broadcast_in_dim3A_495 = arith.constant true
      %broadcast_in_dim3A_496 = vector.broadcast %broadcast_in_dim3A_495 : i1 to vector<16xi1>
      %masked_cumsum3A_497 = tpu.scan <sum>, %convert_element_type3A_494 masked %broadcast_in_dim3A_496 : vector<16xi32>, vector<16xi1> -> vector<16xi32>
      %add3A_498 = arith.addi %scan3A_388, %masked_cumsum3A_497 : vector<16xi32>
      %add3A_499 = arith.constant 447 : i32
      %add3A_500 = vector.broadcast %add3A_499 : i32 to vector<16xi32>
      %add3A_501 = arith.addi %add3A_498, %add3A_500 : vector<16xi32>
      tpu.vector_store_idx %arg10[%add3A_501], %mul3A_456 masked %and3A_493 : memref<1120xf32, #tpu.memory_space<vmem>>[vector<16xi32>], vector<16xf32>, vector<16xi1>
      tpu.vector_store_idx %arg11[%add3A_501], %mul3A_460 masked %and3A_493 : memref<1120xf32, #tpu.memory_space<vmem>>[vector<16xi32>], vector<16xf32>, vector<16xi1>
      tpu.vector_store_idx %arg12[%add3A_501], %add3A_462 masked %and3A_493 : memref<1120xi32, #tpu.memory_space<vmem>>[vector<16xi32>], vector<16xi32>, vector<16xi1>
      %all_reduce_population_count3A_502 = tpu.all_reduce %and3A_493 {dim = 0 : i64, kind = #tpu.reduction_kind<sum>} : vector<16xi1> -> vector<16xi32>
      %add3A_503 = arith.addi %scan3A_388, %all_reduce_population_count3A_502 : vector<16xi32>
      %eq3A_504 = arith.constant 3.000000e+00 : f32
      %eq3A_505 = vector.broadcast %eq3A_504 : f32 to vector<16xf32>
      %eq3A_506 = arith.cmpf oeq, %select_n3A_452, %eq3A_505 : vector<16xf32>
      %and3A_507 = arith.andi %eq3A_506, %lt3A_465 : vector<16xi1>
      %convert_element_type3A_508 = arith.extui %and3A_507 : vector<16xi1> to vector<16xi32>
      %broadcast_in_dim3A_509 = arith.constant true
      %broadcast_in_dim3A_510 = vector.broadcast %broadcast_in_dim3A_509 : i1 to vector<16xi1>
      %masked_cumsum3A_511 = tpu.scan <sum>, %convert_element_type3A_508 masked %broadcast_in_dim3A_510 : vector<16xi32>, vector<16xi1> -> vector<16xi32>
      %add3A_512 = arith.addi %scan3A_389, %masked_cumsum3A_511 : vector<16xi32>
      %add3A_513 = arith.constant 671 : i32
      %add3A_514 = vector.broadcast %add3A_513 : i32 to vector<16xi32>
      %add3A_515 = arith.addi %add3A_512, %add3A_514 : vector<16xi32>
      tpu.vector_store_idx %arg10[%add3A_515], %mul3A_456 masked %and3A_507 : memref<1120xf32, #tpu.memory_space<vmem>>[vector<16xi32>], vector<16xf32>, vector<16xi1>
      tpu.vector_store_idx %arg11[%add3A_515], %mul3A_460 masked %and3A_507 : memref<1120xf32, #tpu.memory_space<vmem>>[vector<16xi32>], vector<16xf32>, vector<16xi1>
      tpu.vector_store_idx %arg12[%add3A_515], %add3A_462 masked %and3A_507 : memref<1120xi32, #tpu.memory_space<vmem>>[vector<16xi32>], vector<16xi32>, vector<16xi1>
      %all_reduce_population_count3A_516 = tpu.all_reduce %and3A_507 {dim = 0 : i64, kind = #tpu.reduction_kind<sum>} : vector<16xi1> -> vector<16xi32>
      %add3A_517 = arith.addi %scan3A_389, %all_reduce_population_count3A_516 : vector<16xi32>
      %eq3A_518 = arith.constant 4.000000e+00 : f32
      %eq3A_519 = vector.broadcast %eq3A_518 : f32 to vector<16xf32>
      %eq3A_520 = arith.cmpf oeq, %select_n3A_452, %eq3A_519 : vector<16xf32>
      %and3A_521 = arith.andi %eq3A_520, %lt3A_465 : vector<16xi1>
      %convert_element_type3A_522 = arith.extui %and3A_521 : vector<16xi1> to vector<16xi32>
      %broadcast_in_dim3A_523 = arith.constant true
      %broadcast_in_dim3A_524 = vector.broadcast %broadcast_in_dim3A_523 : i1 to vector<16xi1>
      %masked_cumsum3A_525 = tpu.scan <sum>, %convert_element_type3A_522 masked %broadcast_in_dim3A_524 : vector<16xi32>, vector<16xi1> -> vector<16xi32>
      %add3A_526 = arith.addi %scan3A_390, %masked_cumsum3A_525 : vector<16xi32>
      %add3A_527 = arith.constant 895 : i32
      %add3A_528 = vector.broadcast %add3A_527 : i32 to vector<16xi32>
      %add3A_529 = arith.addi %add3A_526, %add3A_528 : vector<16xi32>
      tpu.vector_store_idx %arg10[%add3A_529], %mul3A_456 masked %and3A_521 : memref<1120xf32, #tpu.memory_space<vmem>>[vector<16xi32>], vector<16xf32>, vector<16xi1>
      tpu.vector_store_idx %arg11[%add3A_529], %mul3A_460 masked %and3A_521 : memref<1120xf32, #tpu.memory_space<vmem>>[vector<16xi32>], vector<16xf32>, vector<16xi1>
      tpu.vector_store_idx %arg12[%add3A_529], %add3A_462 masked %and3A_521 : memref<1120xi32, #tpu.memory_space<vmem>>[vector<16xi32>], vector<16xi32>, vector<16xi1>
      %all_reduce_population_count3A_530 = tpu.all_reduce %and3A_521 {dim = 0 : i64, kind = #tpu.reduction_kind<sum>} : vector<16xi1> -> vector<16xi32>
      %add3A_531 = arith.addi %scan3A_390, %all_reduce_population_count3A_530 : vector<16xi32>
      scf.yield %add3A_475, %add3A_489, %add3A_503, %add3A_517, %add3A_531 : vector<16xi32>, vector<16xi32>, vector<16xi32>, vector<16xi32>, vector<16xi32>
    }
    %scan3A_103 = arith.constant 13 : i32
    %reduce_max3A = arith.constant true
    %reduce_max3A_104 = vector.broadcast %reduce_max3A : i1 to vector<16xi1>
    %reduce_max3A_105 = arith.constant -2147483648 : i32
    %reduce_max3A_106 = vector.broadcast %reduce_max3A_105 : i32 to vector<16xi32>
    %reduce_max3A_107 = arith.xori %scan3A_102#0, %reduce_max3A_106 : vector<16xi32>
    %reduce_max3A_108 = tpu.scan <max>, %reduce_max3A_107 masked %reduce_max3A_104 : vector<16xi32>, vector<16xi1> -> vector<16xi32>
    %reduce_max3A_109 = arith.xori %reduce_max3A_108, %reduce_max3A_106 : vector<16xi32>
    %reduce_max3A_110 = vector.extract %reduce_max3A_109[15] : i32 from vector<16xi32>
    %reduce_max3A_111 = arith.constant true
    %reduce_max3A_112 = vector.broadcast %reduce_max3A_111 : i1 to vector<16xi1>
    %reduce_max3A_113 = arith.constant -2147483648 : i32
    %reduce_max3A_114 = vector.broadcast %reduce_max3A_113 : i32 to vector<16xi32>
    %reduce_max3A_115 = arith.xori %scan3A_102#1, %reduce_max3A_114 : vector<16xi32>
    %reduce_max3A_116 = tpu.scan <max>, %reduce_max3A_115 masked %reduce_max3A_112 : vector<16xi32>, vector<16xi1> -> vector<16xi32>
    %reduce_max3A_117 = arith.xori %reduce_max3A_116, %reduce_max3A_114 : vector<16xi32>
    %reduce_max3A_118 = vector.extract %reduce_max3A_117[15] : i32 from vector<16xi32>
    %reduce_max3A_119 = arith.constant true
    %reduce_max3A_120 = vector.broadcast %reduce_max3A_119 : i1 to vector<16xi1>
    %reduce_max3A_121 = arith.constant -2147483648 : i32
    %reduce_max3A_122 = vector.broadcast %reduce_max3A_121 : i32 to vector<16xi32>
    %reduce_max3A_123 = arith.xori %scan3A_102#2, %reduce_max3A_122 : vector<16xi32>
    %reduce_max3A_124 = tpu.scan <max>, %reduce_max3A_123 masked %reduce_max3A_120 : vector<16xi32>, vector<16xi1> -> vector<16xi32>
    %reduce_max3A_125 = arith.xori %reduce_max3A_124, %reduce_max3A_122 : vector<16xi32>
    %reduce_max3A_126 = vector.extract %reduce_max3A_125[15] : i32 from vector<16xi32>
    %reduce_max3A_127 = arith.constant true
    %reduce_max3A_128 = vector.broadcast %reduce_max3A_127 : i1 to vector<16xi1>
    %reduce_max3A_129 = arith.constant -2147483648 : i32
    %reduce_max3A_130 = vector.broadcast %reduce_max3A_129 : i32 to vector<16xi32>
    %reduce_max3A_131 = arith.xori %scan3A_102#3, %reduce_max3A_130 : vector<16xi32>
    %reduce_max3A_132 = tpu.scan <max>, %reduce_max3A_131 masked %reduce_max3A_128 : vector<16xi32>, vector<16xi1> -> vector<16xi32>
    %reduce_max3A_133 = arith.xori %reduce_max3A_132, %reduce_max3A_130 : vector<16xi32>
    %reduce_max3A_134 = vector.extract %reduce_max3A_133[15] : i32 from vector<16xi32>
    %reduce_max3A_135 = arith.constant true
    %reduce_max3A_136 = vector.broadcast %reduce_max3A_135 : i1 to vector<16xi1>
    %reduce_max3A_137 = arith.constant -2147483648 : i32
    %reduce_max3A_138 = vector.broadcast %reduce_max3A_137 : i32 to vector<16xi32>
    %reduce_max3A_139 = arith.xori %scan3A_102#4, %reduce_max3A_138 : vector<16xi32>
    %reduce_max3A_140 = tpu.scan <max>, %reduce_max3A_139 masked %reduce_max3A_136 : vector<16xi32>, vector<16xi1> -> vector<16xi32>
    %reduce_max3A_141 = arith.xori %reduce_max3A_140, %reduce_max3A_138 : vector<16xi32>
    %reduce_max3A_142 = vector.extract %reduce_max3A_141[15] : i32 from vector<16xi32>
    %add3A_143 = arith.constant 0 : i32
    %add3A_144 = arith.addi %add3A_143, %reduce_max3A_110 : i32
    %add3A_145 = vector.broadcast %add3A_144 : i32 to vector<16xi32>
    %add3A_146 = arith.addi %iota3A, %add3A_145 : vector<16xi32>
    tpu.vector_store_idx %arg10[%add3A_146], %broadcast_in_dim3A_88 : memref<1120xf32, #tpu.memory_space<vmem>>[vector<16xi32>], vector<16xf32>,
    %add3A_147 = arith.constant 224 : i32
    %add3A_148 = arith.addi %add3A_147, %reduce_max3A_118 : i32
    %add3A_149 = vector.broadcast %add3A_148 : i32 to vector<16xi32>
    %add3A_150 = arith.addi %iota3A, %add3A_149 : vector<16xi32>
    tpu.vector_store_idx %arg10[%add3A_150], %broadcast_in_dim3A_88 : memref<1120xf32, #tpu.memory_space<vmem>>[vector<16xi32>], vector<16xf32>,
    %add3A_151 = arith.constant 448 : i32
    %add3A_152 = arith.addi %add3A_151, %reduce_max3A_126 : i32
    %add3A_153 = vector.broadcast %add3A_152 : i32 to vector<16xi32>
    %add3A_154 = arith.addi %iota3A, %add3A_153 : vector<16xi32>
    tpu.vector_store_idx %arg10[%add3A_154], %broadcast_in_dim3A_88 : memref<1120xf32, #tpu.memory_space<vmem>>[vector<16xi32>], vector<16xf32>,
    %add3A_155 = arith.constant 672 : i32
    %add3A_156 = arith.addi %add3A_155, %reduce_max3A_134 : i32
    %add3A_157 = vector.broadcast %add3A_156 : i32 to vector<16xi32>
    %add3A_158 = arith.addi %iota3A, %add3A_157 : vector<16xi32>
    tpu.vector_store_idx %arg10[%add3A_158], %broadcast_in_dim3A_88 : memref<1120xf32, #tpu.memory_space<vmem>>[vector<16xi32>], vector<16xf32>,
    %add3A_159 = arith.constant 896 : i32
    %add3A_160 = arith.addi %add3A_159, %reduce_max3A_142 : i32
    %add3A_161 = vector.broadcast %add3A_160 : i32 to vector<16xi32>
    %add3A_162 = arith.addi %iota3A, %add3A_161 : vector<16xi32>
    tpu.vector_store_idx %arg10[%add3A_162], %broadcast_in_dim3A_88 : memref<1120xf32, #tpu.memory_space<vmem>>[vector<16xi32>], vector<16xf32>,
    %dma_wait3A = arith.constant 0 : i32
    %dma_wait3A_163 = tpu.memref_slice %arg8[%dma_wait3A] : memref<2752xf32, #tpu.memory_space<vmem>> -> memref<512xf32, #tpu.memory_space<vmem>>
    %dma_wait3A_164 = tpu.memref_slice %arg2[%multiple_of3A] : memref<21824xf32, #tpu.memory_space<hbm>> -> memref<512xf32, #tpu.memory_space<hbm>>
    %dma_wait3A_165 = arith.constant 0 : i32
    %dma_wait3A_166 = tpu.memref_slice %arg8[%dma_wait3A_165] : memref<2752xf32, #tpu.memory_space<vmem>> -> memref<512xf32, #tpu.memory_space<vmem>>
    %dma_wait3A_167 = tpu.memref_slice %arg2[%multiple_of3A] : memref<21824xf32, #tpu.memory_space<hbm>> -> memref<512xf32, #tpu.memory_space<hbm>>
    tpu.wait_dma2 semaphore(%arg15 : memref<!tpu.dma_semaphore, #tpu.memory_space<semaphore_mem>>) src(%dma_wait3A_167 : memref<512xf32, #tpu.memory_space<hbm>>) dst(%dma_wait3A_166 : memref<512xf32, #tpu.memory_space<vmem>>)
    %dma_wait3A_168 = arith.constant 688 : i32
    %dma_wait3A_169 = tpu.memref_slice %arg8[%dma_wait3A_168] : memref<2752xf32, #tpu.memory_space<vmem>> -> memref<512xf32, #tpu.memory_space<vmem>>
    %dma_wait3A_170 = tpu.memref_slice %arg3[%multiple_of3A] : memref<21824xf32, #tpu.memory_space<hbm>> -> memref<512xf32, #tpu.memory_space<hbm>>
    %dma_wait3A_171 = arith.constant 688 : i32
    %dma_wait3A_172 = tpu.memref_slice %arg8[%dma_wait3A_171] : memref<2752xf32, #tpu.memory_space<vmem>> -> memref<512xf32, #tpu.memory_space<vmem>>
    %dma_wait3A_173 = tpu.memref_slice %arg3[%multiple_of3A] : memref<21824xf32, #tpu.memory_space<hbm>> -> memref<512xf32, #tpu.memory_space<hbm>>
    tpu.wait_dma2 semaphore(%arg15 : memref<!tpu.dma_semaphore, #tpu.memory_space<semaphore_mem>>) src(%dma_wait3A_173 : memref<512xf32, #tpu.memory_space<hbm>>) dst(%dma_wait3A_172 : memref<512xf32, #tpu.memory_space<vmem>>)
    %dma_wait3A_174 = arith.constant 1376 : i32
    %dma_wait3A_175 = tpu.memref_slice %arg8[%dma_wait3A_174] : memref<2752xf32, #tpu.memory_space<vmem>> -> memref<512xf32, #tpu.memory_space<vmem>>
    %dma_wait3A_176 = tpu.memref_slice %arg4[%multiple_of3A] : memref<21824xf32, #tpu.memory_space<hbm>> -> memref<512xf32, #tpu.memory_space<hbm>>
    %dma_wait3A_177 = arith.constant 1376 : i32
    %dma_wait3A_178 = tpu.memref_slice %arg8[%dma_wait3A_177] : memref<2752xf32, #tpu.memory_space<vmem>> -> memref<512xf32, #tpu.memory_space<vmem>>
    %dma_wait3A_179 = tpu.memref_slice %arg4[%multiple_of3A] : memref<21824xf32, #tpu.memory_space<hbm>> -> memref<512xf32, #tpu.memory_space<hbm>>
    tpu.wait_dma2 semaphore(%arg15 : memref<!tpu.dma_semaphore, #tpu.memory_space<semaphore_mem>>) src(%dma_wait3A_179 : memref<512xf32, #tpu.memory_space<hbm>>) dst(%dma_wait3A_178 : memref<512xf32, #tpu.memory_space<vmem>>)
    %dma_wait3A_180 = arith.constant 2064 : i32
    %dma_wait3A_181 = tpu.memref_slice %arg8[%dma_wait3A_180] : memref<2752xf32, #tpu.memory_space<vmem>> -> memref<512xf32, #tpu.memory_space<vmem>>
    %dma_wait3A_182 = tpu.memref_slice %arg5[%multiple_of3A] : memref<21824xf32, #tpu.memory_space<hbm>> -> memref<512xf32, #tpu.memory_space<hbm>>
    %dma_wait3A_183 = arith.constant 2064 : i32
    %dma_wait3A_184 = tpu.memref_slice %arg8[%dma_wait3A_183] : memref<2752xf32, #tpu.memory_space<vmem>> -> memref<512xf32, #tpu.memory_space<vmem>>
    %dma_wait3A_185 = tpu.memref_slice %arg5[%multiple_of3A] : memref<21824xf32, #tpu.memory_space<hbm>> -> memref<512xf32, #tpu.memory_space<hbm>>
    tpu.wait_dma2 semaphore(%arg15 : memref<!tpu.dma_semaphore, #tpu.memory_space<semaphore_mem>>) src(%dma_wait3A_185 : memref<512xf32, #tpu.memory_space<hbm>>) dst(%dma_wait3A_184 : memref<512xf32, #tpu.memory_space<vmem>>)
    %dma_wait3A_186 = arith.constant 512 : i32
    %dma_wait3A_187 = tpu.memref_slice %arg8[%dma_wait3A_186] : memref<2752xf32, #tpu.memory_space<vmem>> -> memref<128xf32, #tpu.memory_space<vmem>>
    %dma_wait3A_188 = tpu.memref_slice %arg2[%multiple_of3A_32] : memref<21824xf32, #tpu.memory_space<hbm>> -> memref<128xf32, #tpu.memory_space<hbm>>
    %dma_wait3A_189 = arith.constant 512 : i32
    %dma_wait3A_190 = tpu.memref_slice %arg8[%dma_wait3A_189] : memref<2752xf32, #tpu.memory_space<vmem>> -> memref<128xf32, #tpu.memory_space<vmem>>
    %dma_wait3A_191 = tpu.memref_slice %arg2[%multiple_of3A_32] : memref<21824xf32, #tpu.memory_space<hbm>> -> memref<128xf32, #tpu.memory_space<hbm>>
    tpu.wait_dma2 semaphore(%arg16 : memref<!tpu.dma_semaphore, #tpu.memory_space<semaphore_mem>>) src(%dma_wait3A_191 : memref<128xf32, #tpu.memory_space<hbm>>) dst(%dma_wait3A_190 : memref<128xf32, #tpu.memory_space<vmem>>)
    %dma_wait3A_192 = arith.constant 1200 : i32
    %dma_wait3A_193 = tpu.memref_slice %arg8[%dma_wait3A_192] : memref<2752xf32, #tpu.memory_space<vmem>> -> memref<128xf32, #tpu.memory_space<vmem>>
    %dma_wait3A_194 = tpu.memref_slice %arg3[%multiple_of3A_32] : memref<21824xf32, #tpu.memory_space<hbm>> -> memref<128xf32, #tpu.memory_space<hbm>>
    %dma_wait3A_195 = arith.constant 1200 : i32
    %dma_wait3A_196 = tpu.memref_slice %arg8[%dma_wait3A_195] : memref<2752xf32, #tpu.memory_space<vmem>> -> memref<128xf32, #tpu.memory_space<vmem>>
    %dma_wait3A_197 = tpu.memref_slice %arg3[%multiple_of3A_32] : memref<21824xf32, #tpu.memory_space<hbm>> -> memref<128xf32, #tpu.memory_space<hbm>>
    tpu.wait_dma2 semaphore(%arg16 : memref<!tpu.dma_semaphore, #tpu.memory_space<semaphore_mem>>) src(%dma_wait3A_197 : memref<128xf32, #tpu.memory_space<hbm>>) dst(%dma_wait3A_196 : memref<128xf32, #tpu.memory_space<vmem>>)
    %dma_wait3A_198 = arith.constant 1888 : i32
    %dma_wait3A_199 = tpu.memref_slice %arg8[%dma_wait3A_198] : memref<2752xf32, #tpu.memory_space<vmem>> -> memref<128xf32, #tpu.memory_space<vmem>>
    %dma_wait3A_200 = tpu.memref_slice %arg4[%multiple_of3A_32] : memref<21824xf32, #tpu.memory_space<hbm>> -> memref<128xf32, #tpu.memory_space<hbm>>
    %dma_wait3A_201 = arith.constant 1888 : i32
    %dma_wait3A_202 = tpu.memref_slice %arg8[%dma_wait3A_201] : memref<2752xf32, #tpu.memory_space<vmem>> -> memref<128xf32, #tpu.memory_space<vmem>>
    %dma_wait3A_203 = tpu.memref_slice %arg4[%multiple_of3A_32] : memref<21824xf32, #tpu.memory_space<hbm>> -> memref<128xf32, #tpu.memory_space<hbm>>
    tpu.wait_dma2 semaphore(%arg16 : memref<!tpu.dma_semaphore, #tpu.memory_space<semaphore_mem>>) src(%dma_wait3A_203 : memref<128xf32, #tpu.memory_space<hbm>>) dst(%dma_wait3A_202 : memref<128xf32, #tpu.memory_space<vmem>>)
    %dma_wait3A_204 = arith.constant 2576 : i32
    %dma_wait3A_205 = tpu.memref_slice %arg8[%dma_wait3A_204] : memref<2752xf32, #tpu.memory_space<vmem>> -> memref<128xf32, #tpu.memory_space<vmem>>
    %dma_wait3A_206 = tpu.memref_slice %arg5[%multiple_of3A_32] : memref<21824xf32, #tpu.memory_space<hbm>> -> memref<128xf32, #tpu.memory_space<hbm>>
    %dma_wait3A_207 = arith.constant 2576 : i32
    %dma_wait3A_208 = tpu.memref_slice %arg8[%dma_wait3A_207] : memref<2752xf32, #tpu.memory_space<vmem>> -> memref<128xf32, #tpu.memory_space<vmem>>
    %dma_wait3A_209 = tpu.memref_slice %arg5[%multiple_of3A_32] : memref<21824xf32, #tpu.memory_space<hbm>> -> memref<128xf32, #tpu.memory_space<hbm>>
    tpu.wait_dma2 semaphore(%arg16 : memref<!tpu.dma_semaphore, #tpu.memory_space<semaphore_mem>>) src(%dma_wait3A_209 : memref<128xf32, #tpu.memory_space<hbm>>) dst(%dma_wait3A_208 : memref<128xf32, #tpu.memory_space<vmem>>)
    %dma_wait3A_210 = arith.constant 640 : i32
    %dma_wait3A_211 = tpu.memref_slice %arg8[%dma_wait3A_210] : memref<2752xf32, #tpu.memory_space<vmem>> -> memref<32xf32, #tpu.memory_space<vmem>>
    %dma_wait3A_212 = tpu.memref_slice %arg2[%multiple_of3A_61] : memref<21824xf32, #tpu.memory_space<hbm>> -> memref<32xf32, #tpu.memory_space<hbm>>
    %dma_wait3A_213 = arith.constant 640 : i32
    %dma_wait3A_214 = tpu.memref_slice %arg8[%dma_wait3A_213] : memref<2752xf32, #tpu.memory_space<vmem>> -> memref<32xf32, #tpu.memory_space<vmem>>
    %dma_wait3A_215 = tpu.memref_slice %arg2[%multiple_of3A_61] : memref<21824xf32, #tpu.memory_space<hbm>> -> memref<32xf32, #tpu.memory_space<hbm>>
    tpu.wait_dma2 semaphore(%arg17 : memref<!tpu.dma_semaphore, #tpu.memory_space<semaphore_mem>>) src(%dma_wait3A_215 : memref<32xf32, #tpu.memory_space<hbm>>) dst(%dma_wait3A_214 : memref<32xf32, #tpu.memory_space<vmem>>)
    %dma_wait3A_216 = arith.constant 1328 : i32
    %dma_wait3A_217 = tpu.memref_slice %arg8[%dma_wait3A_216] : memref<2752xf32, #tpu.memory_space<vmem>> -> memref<32xf32, #tpu.memory_space<vmem>>
    %dma_wait3A_218 = tpu.memref_slice %arg3[%multiple_of3A_61] : memref<21824xf32, #tpu.memory_space<hbm>> -> memref<32xf32, #tpu.memory_space<hbm>>
    %dma_wait3A_219 = arith.constant 1328 : i32
    %dma_wait3A_220 = tpu.memref_slice %arg8[%dma_wait3A_219] : memref<2752xf32, #tpu.memory_space<vmem>> -> memref<32xf32, #tpu.memory_space<vmem>>
    %dma_wait3A_221 = tpu.memref_slice %arg3[%multiple_of3A_61] : memref<21824xf32, #tpu.memory_space<hbm>> -> memref<32xf32, #tpu.memory_space<hbm>>
    tpu.wait_dma2 semaphore(%arg17 : memref<!tpu.dma_semaphore, #tpu.memory_space<semaphore_mem>>) src(%dma_wait3A_221 : memref<32xf32, #tpu.memory_space<hbm>>) dst(%dma_wait3A_220 : memref<32xf32, #tpu.memory_space<vmem>>)
    %dma_wait3A_222 = arith.constant 2016 : i32
    %dma_wait3A_223 = tpu.memref_slice %arg8[%dma_wait3A_222] : memref<2752xf32, #tpu.memory_space<vmem>> -> memref<32xf32, #tpu.memory_space<vmem>>
    %dma_wait3A_224 = tpu.memref_slice %arg4[%multiple_of3A_61] : memref<21824xf32, #tpu.memory_space<hbm>> -> memref<32xf32, #tpu.memory_space<hbm>>
    %dma_wait3A_225 = arith.constant 2016 : i32
    %dma_wait3A_226 = tpu.memref_slice %arg8[%dma_wait3A_225] : memref<2752xf32, #tpu.memory_space<vmem>> -> memref<32xf32, #tpu.memory_space<vmem>>
    %dma_wait3A_227 = tpu.memref_slice %arg4[%multiple_of3A_61] : memref<21824xf32, #tpu.memory_space<hbm>> -> memref<32xf32, #tpu.memory_space<hbm>>
    tpu.wait_dma2 semaphore(%arg17 : memref<!tpu.dma_semaphore, #tpu.memory_space<semaphore_mem>>) src(%dma_wait3A_227 : memref<32xf32, #tpu.memory_space<hbm>>) dst(%dma_wait3A_226 : memref<32xf32, #tpu.memory_space<vmem>>)
    %dma_wait3A_228 = arith.constant 2704 : i32
    %dma_wait3A_229 = tpu.memref_slice %arg8[%dma_wait3A_228] : memref<2752xf32, #tpu.memory_space<vmem>> -> memref<32xf32, #tpu.memory_space<vmem>>
    %dma_wait3A_230 = tpu.memref_slice %arg5[%multiple_of3A_61] : memref<21824xf32, #tpu.memory_space<hbm>> -> memref<32xf32, #tpu.memory_space<hbm>>
    %dma_wait3A_231 = arith.constant 2704 : i32
    %dma_wait3A_232 = tpu.memref_slice %arg8[%dma_wait3A_231] : memref<2752xf32, #tpu.memory_space<vmem>> -> memref<32xf32, #tpu.memory_space<vmem>>
    %dma_wait3A_233 = tpu.memref_slice %arg5[%multiple_of3A_61] : memref<21824xf32, #tpu.memory_space<hbm>> -> memref<32xf32, #tpu.memory_space<hbm>>
    tpu.wait_dma2 semaphore(%arg17 : memref<!tpu.dma_semaphore, #tpu.memory_space<semaphore_mem>>) src(%dma_wait3A_233 : memref<32xf32, #tpu.memory_space<hbm>>) dst(%dma_wait3A_232 : memref<32xf32, #tpu.memory_space<vmem>>)
    %broadcast_in_dim3A_234 = arith.constant -2 : i32
    %broadcast_in_dim3A_235 = vector.broadcast %broadcast_in_dim3A_234 : i32 to vector<16xi32>
    %scan3A_236 = arith.constant 0 : i32
    %scan3A_237 = arith.constant 0 : i32
    %scan3A_238 = arith.constant 10 : i32
    %scan3A_239 = arith.addi %scan3A_237, %scan3A_238 : i32
    %scan3A_240 = arith.constant 1 : i32
    scf.for %scan3A_385 = %scan3A_237 to %scan3A_239 step %scan3A_240  : i32 {
      %mul3A_386 = arith.constant 64 : i32
      %mul3A_387 = arith.muli %mul3A_386, %scan3A_385 : i32
      %add3A_388 = arith.constant 0 : i32
      %add3A_389 = arith.addi %mul3A_387, %add3A_388 : i32
      %add3A_390 = vector.broadcast %add3A_389 : i32 to vector<16xi32>
      %add3A_391 = arith.addi %iota3A, %add3A_390 : vector<16xi32>
      %mul3A_392 = arith.constant 64 : i32
      %mul3A_393 = arith.muli %mul3A_392, %scan3A_385 : i32
      %add3A_394 = arith.constant 16 : i32
      %add3A_395 = arith.addi %mul3A_393, %add3A_394 : i32
      %add3A_396 = vector.broadcast %add3A_395 : i32 to vector<16xi32>
      %add3A_397 = arith.addi %iota3A, %add3A_396 : vector<16xi32>
      %mul3A_398 = arith.constant 64 : i32
      %mul3A_399 = arith.muli %mul3A_398, %scan3A_385 : i32
      %add3A_400 = arith.constant 32 : i32
      %add3A_401 = arith.addi %mul3A_399, %add3A_400 : i32
      %add3A_402 = vector.broadcast %add3A_401 : i32 to vector<16xi32>
      %add3A_403 = arith.addi %iota3A, %add3A_402 : vector<16xi32>
      %mul3A_404 = arith.constant 64 : i32
      %mul3A_405 = arith.muli %mul3A_404, %scan3A_385 : i32
      %add3A_406 = arith.constant 48 : i32
      %add3A_407 = arith.addi %mul3A_405, %add3A_406 : i32
      %add3A_408 = vector.broadcast %add3A_407 : i32 to vector<16xi32>
      %add3A_409 = arith.addi %iota3A, %add3A_408 : vector<16xi32>
      %lt3A_410 = arith.constant 8 : i32
      %lt3A_411 = arith.cmpi slt, %scan3A_385, %lt3A_410 : i32
      %jit3A_412 = arith.constant 0 : i32
      %jit3A_413 = arith.constant 224 : i32
      %select_n3A_414 = arith.select %lt3A_411, %jit3A_412, %jit3A_413 : i32
      %lt3A_415 = arith.constant 8 : i32
      %lt3A_416 = arith.cmpi slt, %scan3A_385, %lt3A_415 : i32
      %select_n3A_417 = arith.select %lt3A_416, %reduce_max3A_110, %reduce_max3A_118 : i32
      %eq3A = arith.constant 0 : i32
      %eq3A_418 = arith.cmpi eq, %select_n3A_417, %eq3A : i32
      %convert_element_type3A_419 = arith.extui %eq3A_418 : i1 to i32
      %cond3A_420 = arith.constant 0 : i32
      %cond3A_421 = arith.cmpi ne, %convert_element_type3A_419, %cond3A_420 : i32
      scf.if %cond3A_421 {
        tpu.vector_store_idx %arg13[%add3A_391], %broadcast_in_dim3A_235 : memref<688xi32, #tpu.memory_space<vmem>>[vector<16xi32>], vector<16xi32>,
        tpu.vector_store_idx %arg13[%add3A_397], %broadcast_in_dim3A_235 : memref<688xi32, #tpu.memory_space<vmem>>[vector<16xi32>], vector<16xi32>,
        tpu.vector_store_idx %arg13[%add3A_403], %broadcast_in_dim3A_235 : memref<688xi32, #tpu.memory_space<vmem>>[vector<16xi32>], vector<16xi32>,
        tpu.vector_store_idx %arg13[%add3A_409], %broadcast_in_dim3A_235 : memref<688xi32, #tpu.memory_space<vmem>>[vector<16xi32>], vector<16xi32>,
      } else {
      }
      %gt3A = arith.constant 0 : i32
      %gt3A_422 = arith.cmpi sgt, %select_n3A_417, %gt3A : i32
      %convert_element_type3A_423 = arith.extui %gt3A_422 : i1 to i32
      %cond3A_424 = arith.constant 0 : i32
      %cond3A_425 = arith.cmpi ne, %convert_element_type3A_423, %cond3A_424 : i32
      scf.if %cond3A_425 {
        %add3A_426 = arith.constant 0 : i32
        %add3A_427 = vector.broadcast %add3A_426 : i32 to vector<16xi32>
        %add3A_428 = arith.addi %add3A_391, %add3A_427 : vector<16xi32>
        %gather3A_429 = tpu.vector_load_idx %arg8[%add3A_428] : memref<2752xf32, #tpu.memory_space<vmem>>[vector<16xi32>], vector<16xf32>,
        %add3A_430 = arith.constant 688 : i32
        %add3A_431 = vector.broadcast %add3A_430 : i32 to vector<16xi32>
        %add3A_432 = arith.addi %add3A_391, %add3A_431 : vector<16xi32>
        %gather3A_433 = tpu.vector_load_idx %arg8[%add3A_432] : memref<2752xf32, #tpu.memory_space<vmem>>[vector<16xi32>], vector<16xf32>,
        %add3A_434 = arith.constant 1376 : i32
        %add3A_435 = vector.broadcast %add3A_434 : i32 to vector<16xi32>
        %add3A_436 = arith.addi %add3A_391, %add3A_435 : vector<16xi32>
        %gather3A_437 = tpu.vector_load_idx %arg8[%add3A_436] : memref<2752xf32, #tpu.memory_space<vmem>>[vector<16xi32>], vector<16xf32>,
        %add3A_438 = arith.constant 2064 : i32
        %add3A_439 = vector.broadcast %add3A_438 : i32 to vector<16xi32>
        %add3A_440 = arith.addi %add3A_391, %add3A_439 : vector<16xi32>
        %gather3A_441 = tpu.vector_load_idx %arg8[%add3A_440] : memref<2752xf32, #tpu.memory_space<vmem>>[vector<16xi32>], vector<16xf32>,
        %add3A_442 = arith.constant 0 : i32
        %add3A_443 = vector.broadcast %add3A_442 : i32 to vector<16xi32>
        %add3A_444 = arith.addi %add3A_397, %add3A_443 : vector<16xi32>
        %gather3A_445 = tpu.vector_load_idx %arg8[%add3A_444] : memref<2752xf32, #tpu.memory_space<vmem>>[vector<16xi32>], vector<16xf32>,
        %add3A_446 = arith.constant 688 : i32
        %add3A_447 = vector.broadcast %add3A_446 : i32 to vector<16xi32>
        %add3A_448 = arith.addi %add3A_397, %add3A_447 : vector<16xi32>
        %gather3A_449 = tpu.vector_load_idx %arg8[%add3A_448] : memref<2752xf32, #tpu.memory_space<vmem>>[vector<16xi32>], vector<16xf32>,
        %add3A_450 = arith.constant 1376 : i32
        %add3A_451 = vector.broadcast %add3A_450 : i32 to vector<16xi32>
        %add3A_452 = arith.addi %add3A_397, %add3A_451 : vector<16xi32>
        %gather3A_453 = tpu.vector_load_idx %arg8[%add3A_452] : memref<2752xf32, #tpu.memory_space<vmem>>[vector<16xi32>], vector<16xf32>,
        %add3A_454 = arith.constant 2064 : i32
        %add3A_455 = vector.broadcast %add3A_454 : i32 to vector<16xi32>
        %add3A_456 = arith.addi %add3A_397, %add3A_455 : vector<16xi32>
        %gather3A_457 = tpu.vector_load_idx %arg8[%add3A_456] : memref<2752xf32, #tpu.memory_space<vmem>>[vector<16xi32>], vector<16xf32>,
        %add3A_458 = arith.constant 0 : i32
        %add3A_459 = vector.broadcast %add3A_458 : i32 to vector<16xi32>
        %add3A_460 = arith.addi %add3A_403, %add3A_459 : vector<16xi32>
        %gather3A_461 = tpu.vector_load_idx %arg8[%add3A_460] : memref<2752xf32, #tpu.memory_space<vmem>>[vector<16xi32>], vector<16xf32>,
        %add3A_462 = arith.constant 688 : i32
        %add3A_463 = vector.broadcast %add3A_462 : i32 to vector<16xi32>
        %add3A_464 = arith.addi %add3A_403, %add3A_463 : vector<16xi32>
        %gather3A_465 = tpu.vector_load_idx %arg8[%add3A_464] : memref<2752xf32, #tpu.memory_space<vmem>>[vector<16xi32>], vector<16xf32>,
        %add3A_466 = arith.constant 1376 : i32
        %add3A_467 = vector.broadcast %add3A_466 : i32 to vector<16xi32>
        %add3A_468 = arith.addi %add3A_403, %add3A_467 : vector<16xi32>
        %gather3A_469 = tpu.vector_load_idx %arg8[%add3A_468] : memref<2752xf32, #tpu.memory_space<vmem>>[vector<16xi32>], vector<16xf32>,
        %add3A_470 = arith.constant 2064 : i32
        %add3A_471 = vector.broadcast %add3A_470 : i32 to vector<16xi32>
        %add3A_472 = arith.addi %add3A_403, %add3A_471 : vector<16xi32>
        %gather3A_473 = tpu.vector_load_idx %arg8[%add3A_472] : memref<2752xf32, #tpu.memory_space<vmem>>[vector<16xi32>], vector<16xf32>,
        %add3A_474 = arith.constant 0 : i32
        %add3A_475 = vector.broadcast %add3A_474 : i32 to vector<16xi32>
        %add3A_476 = arith.addi %add3A_409, %add3A_475 : vector<16xi32>
        %gather3A_477 = tpu.vector_load_idx %arg8[%add3A_476] : memref<2752xf32, #tpu.memory_space<vmem>>[vector<16xi32>], vector<16xf32>,
        %add3A_478 = arith.constant 688 : i32
        %add3A_479 = vector.broadcast %add3A_478 : i32 to vector<16xi32>
        %add3A_480 = arith.addi %add3A_409, %add3A_479 : vector<16xi32>
        %gather3A_481 = tpu.vector_load_idx %arg8[%add3A_480] : memref<2752xf32, #tpu.memory_space<vmem>>[vector<16xi32>], vector<16xf32>,
        %add3A_482 = arith.constant 1376 : i32
        %add3A_483 = vector.broadcast %add3A_482 : i32 to vector<16xi32>
        %add3A_484 = arith.addi %add3A_409, %add3A_483 : vector<16xi32>
        %gather3A_485 = tpu.vector_load_idx %arg8[%add3A_484] : memref<2752xf32, #tpu.memory_space<vmem>>[vector<16xi32>], vector<16xf32>,
        %add3A_486 = arith.constant 2064 : i32
        %add3A_487 = vector.broadcast %add3A_486 : i32 to vector<16xi32>
        %add3A_488 = arith.addi %add3A_409, %add3A_487 : vector<16xi32>
        %gather3A_489 = tpu.vector_load_idx %arg8[%add3A_488] : memref<2752xf32, #tpu.memory_space<vmem>>[vector<16xi32>], vector<16xf32>,
        %add3A_490 = arith.constant 3 : i32
        %add3A_491 = arith.addi %select_n3A_417, %add3A_490 : i32
        %shift_right_arithmetic3A_492 = arith.constant 2 : i32
        %shift_right_arithmetic3A_493 = arith.shrsi %add3A_491, %shift_right_arithmetic3A_492 : i32
        %parallel_loop3A_494 = arith.constant 0 : i32
        %parallel_loop3A_495 = arith.constant 1 : i32
        %parallel_loop3A_496:4 = scf.for %parallel_loop3A_497 = %parallel_loop3A_494 to %shift_right_arithmetic3A_493 step %parallel_loop3A_495 iter_args(%parallel_loop3A_498 = %broadcast_in_dim3A_235, %parallel_loop3A_499 = %broadcast_in_dim3A_235, %parallel_loop3A_500 = %broadcast_in_dim3A_235, %parallel_loop3A_501 = %broadcast_in_dim3A_235) -> (vector<16xi32>, vector<16xi32>, vector<16xi32>, vector<16xi32>)  : i32 {
          %parallel_loop3A_502 = arith.constant 4 : i32
          %parallel_loop3A_503 = arith.muli %parallel_loop3A_497, %parallel_loop3A_502 : i32
          %parallel_loop3A_504 = arith.addi %select_n3A_414, %parallel_loop3A_503 : i32
          %parallel_loop3A_505 = arith.constant 0 : i32
          %parallel_loop3A_506 = arith.addi %parallel_loop3A_504, %parallel_loop3A_505 : i32
          %parallel_loop3A_507 = vector.broadcast %parallel_loop3A_506 : i32 to vector<16xi32>
          %parallel_loop3A_508 = tpu.vector_load_idx %arg10[%parallel_loop3A_507] : memref<1120xf32, #tpu.memory_space<vmem>>[vector<16xi32>], vector<16xf32>,
          %parallel_loop3A_509 = tpu.vector_load_idx %arg11[%parallel_loop3A_507] : memref<1120xf32, #tpu.memory_space<vmem>>[vector<16xi32>], vector<16xf32>,
          %parallel_loop3A_510 = tpu.vector_load_idx %arg12[%parallel_loop3A_507] : memref<1120xi32, #tpu.memory_space<vmem>>[vector<16xi32>], vector<16xi32>,
          %parallel_loop3A_511 = arith.cmpf ogt, %parallel_loop3A_508, %gather3A_429 : vector<16xf32>
          %parallel_loop3A_512 = arith.cmpf ogt, %parallel_loop3A_509, %gather3A_433 : vector<16xf32>
          %parallel_loop3A_513 = arith.andi %parallel_loop3A_511, %parallel_loop3A_512 : vector<16xi1>
          %parallel_loop3A_514 = arith.cmpf olt, %parallel_loop3A_508, %gather3A_437 : vector<16xf32>
          %parallel_loop3A_515 = arith.andi %parallel_loop3A_513, %parallel_loop3A_514 : vector<16xi1>
          %parallel_loop3A_516 = arith.cmpf olt, %parallel_loop3A_509, %gather3A_441 : vector<16xf32>
          %parallel_loop3A_517 = arith.andi %parallel_loop3A_515, %parallel_loop3A_516 : vector<16xi1>
          %parallel_loop3A_518 = arith.select %parallel_loop3A_517, %parallel_loop3A_510, %parallel_loop3A_498 : vector<16xi1>, vector<16xi32>
          %parallel_loop3A_519 = arith.cmpf ogt, %parallel_loop3A_508, %gather3A_445 : vector<16xf32>
          %parallel_loop3A_520 = arith.cmpf ogt, %parallel_loop3A_509, %gather3A_449 : vector<16xf32>
          %parallel_loop3A_521 = arith.andi %parallel_loop3A_519, %parallel_loop3A_520 : vector<16xi1>
          %parallel_loop3A_522 = arith.cmpf olt, %parallel_loop3A_508, %gather3A_453 : vector<16xf32>
          %parallel_loop3A_523 = arith.andi %parallel_loop3A_521, %parallel_loop3A_522 : vector<16xi1>
          %parallel_loop3A_524 = arith.cmpf olt, %parallel_loop3A_509, %gather3A_457 : vector<16xf32>
          %parallel_loop3A_525 = arith.andi %parallel_loop3A_523, %parallel_loop3A_524 : vector<16xi1>
          %parallel_loop3A_526 = arith.select %parallel_loop3A_525, %parallel_loop3A_510, %parallel_loop3A_499 : vector<16xi1>, vector<16xi32>
          %parallel_loop3A_527 = arith.cmpf ogt, %parallel_loop3A_508, %gather3A_461 : vector<16xf32>
          %parallel_loop3A_528 = arith.cmpf ogt, %parallel_loop3A_509, %gather3A_465 : vector<16xf32>
          %parallel_loop3A_529 = arith.andi %parallel_loop3A_527, %parallel_loop3A_528 : vector<16xi1>
          %parallel_loop3A_530 = arith.cmpf olt, %parallel_loop3A_508, %gather3A_469 : vector<16xf32>
          %parallel_loop3A_531 = arith.andi %parallel_loop3A_529, %parallel_loop3A_530 : vector<16xi1>
          %parallel_loop3A_532 = arith.cmpf olt, %parallel_loop3A_509, %gather3A_473 : vector<16xf32>
          %parallel_loop3A_533 = arith.andi %parallel_loop3A_531, %parallel_loop3A_532 : vector<16xi1>
          %parallel_loop3A_534 = arith.select %parallel_loop3A_533, %parallel_loop3A_510, %parallel_loop3A_500 : vector<16xi1>, vector<16xi32>
          %parallel_loop3A_535 = arith.cmpf ogt, %parallel_loop3A_508, %gather3A_477 : vector<16xf32>
          %parallel_loop3A_536 = arith.cmpf ogt, %parallel_loop3A_509, %gather3A_481 : vector<16xf32>
          %parallel_loop3A_537 = arith.andi %parallel_loop3A_535, %parallel_loop3A_536 : vector<16xi1>
          %parallel_loop3A_538 = arith.cmpf olt, %parallel_loop3A_508, %gather3A_485 : vector<16xf32>
          %parallel_loop3A_539 = arith.andi %parallel_loop3A_537, %parallel_loop3A_538 : vector<16xi1>
          %parallel_loop3A_540 = arith.cmpf olt, %parallel_loop3A_509, %gather3A_489 : vector<16xf32>
          %parallel_loop3A_541 = arith.andi %parallel_loop3A_539, %parallel_loop3A_540 : vector<16xi1>
          %parallel_loop3A_542 = arith.select %parallel_loop3A_541, %parallel_loop3A_510, %parallel_loop3A_501 : vector<16xi1>, vector<16xi32>
          %parallel_loop3A_543 = arith.constant 1 : i32
          %parallel_loop3A_544 = arith.addi %parallel_loop3A_504, %parallel_loop3A_543 : i32
          %parallel_loop3A_545 = vector.broadcast %parallel_loop3A_544 : i32 to vector<16xi32>
          %parallel_loop3A_546 = tpu.vector_load_idx %arg10[%parallel_loop3A_545] : memref<1120xf32, #tpu.memory_space<vmem>>[vector<16xi32>], vector<16xf32>,
          %parallel_loop3A_547 = tpu.vector_load_idx %arg11[%parallel_loop3A_545] : memref<1120xf32, #tpu.memory_space<vmem>>[vector<16xi32>], vector<16xf32>,
          %parallel_loop3A_548 = tpu.vector_load_idx %arg12[%parallel_loop3A_545] : memref<1120xi32, #tpu.memory_space<vmem>>[vector<16xi32>], vector<16xi32>,
          %parallel_loop3A_549 = arith.cmpf ogt, %parallel_loop3A_546, %gather3A_429 : vector<16xf32>
          %parallel_loop3A_550 = arith.cmpf ogt, %parallel_loop3A_547, %gather3A_433 : vector<16xf32>
          %parallel_loop3A_551 = arith.andi %parallel_loop3A_549, %parallel_loop3A_550 : vector<16xi1>
          %parallel_loop3A_552 = arith.cmpf olt, %parallel_loop3A_546, %gather3A_437 : vector<16xf32>
          %parallel_loop3A_553 = arith.andi %parallel_loop3A_551, %parallel_loop3A_552 : vector<16xi1>
          %parallel_loop3A_554 = arith.cmpf olt, %parallel_loop3A_547, %gather3A_441 : vector<16xf32>
          %parallel_loop3A_555 = arith.andi %parallel_loop3A_553, %parallel_loop3A_554 : vector<16xi1>
          %parallel_loop3A_556 = arith.select %parallel_loop3A_555, %parallel_loop3A_548, %parallel_loop3A_518 : vector<16xi1>, vector<16xi32>
          %parallel_loop3A_557 = arith.cmpf ogt, %parallel_loop3A_546, %gather3A_445 : vector<16xf32>
          %parallel_loop3A_558 = arith.cmpf ogt, %parallel_loop3A_547, %gather3A_449 : vector<16xf32>
          %parallel_loop3A_559 = arith.andi %parallel_loop3A_557, %parallel_loop3A_558 : vector<16xi1>
          %parallel_loop3A_560 = arith.cmpf olt, %parallel_loop3A_546, %gather3A_453 : vector<16xf32>
          %parallel_loop3A_561 = arith.andi %parallel_loop3A_559, %parallel_loop3A_560 : vector<16xi1>
          %parallel_loop3A_562 = arith.cmpf olt, %parallel_loop3A_547, %gather3A_457 : vector<16xf32>
          %parallel_loop3A_563 = arith.andi %parallel_loop3A_561, %parallel_loop3A_562 : vector<16xi1>
          %parallel_loop3A_564 = arith.select %parallel_loop3A_563, %parallel_loop3A_548, %parallel_loop3A_526 : vector<16xi1>, vector<16xi32>
          %parallel_loop3A_565 = arith.cmpf ogt, %parallel_loop3A_546, %gather3A_461 : vector<16xf32>
          %parallel_loop3A_566 = arith.cmpf ogt, %parallel_loop3A_547, %gather3A_465 : vector<16xf32>
          %parallel_loop3A_567 = arith.andi %parallel_loop3A_565, %parallel_loop3A_566 : vector<16xi1>
          %parallel_loop3A_568 = arith.cmpf olt, %parallel_loop3A_546, %gather3A_469 : vector<16xf32>
          %parallel_loop3A_569 = arith.andi %parallel_loop3A_567, %parallel_loop3A_568 : vector<16xi1>
          %parallel_loop3A_570 = arith.cmpf olt, %parallel_loop3A_547, %gather3A_473 : vector<16xf32>
          %parallel_loop3A_571 = arith.andi %parallel_loop3A_569, %parallel_loop3A_570 : vector<16xi1>
          %parallel_loop3A_572 = arith.select %parallel_loop3A_571, %parallel_loop3A_548, %parallel_loop3A_534 : vector<16xi1>, vector<16xi32>
          %parallel_loop3A_573 = arith.cmpf ogt, %parallel_loop3A_546, %gather3A_477 : vector<16xf32>
          %parallel_loop3A_574 = arith.cmpf ogt, %parallel_loop3A_547, %gather3A_481 : vector<16xf32>
          %parallel_loop3A_575 = arith.andi %parallel_loop3A_573, %parallel_loop3A_574 : vector<16xi1>
          %parallel_loop3A_576 = arith.cmpf olt, %parallel_loop3A_546, %gather3A_485 : vector<16xf32>
          %parallel_loop3A_577 = arith.andi %parallel_loop3A_575, %parallel_loop3A_576 : vector<16xi1>
          %parallel_loop3A_578 = arith.cmpf olt, %parallel_loop3A_547, %gather3A_489 : vector<16xf32>
          %parallel_loop3A_579 = arith.andi %parallel_loop3A_577, %parallel_loop3A_578 : vector<16xi1>
          %parallel_loop3A_580 = arith.select %parallel_loop3A_579, %parallel_loop3A_548, %parallel_loop3A_542 : vector<16xi1>, vector<16xi32>
          %parallel_loop3A_581 = arith.constant 2 : i32
          %parallel_loop3A_582 = arith.addi %parallel_loop3A_504, %parallel_loop3A_581 : i32
          %parallel_loop3A_583 = vector.broadcast %parallel_loop3A_582 : i32 to vector<16xi32>
          %parallel_loop3A_584 = tpu.vector_load_idx %arg10[%parallel_loop3A_583] : memref<1120xf32, #tpu.memory_space<vmem>>[vector<16xi32>], vector<16xf32>,
          %parallel_loop3A_585 = tpu.vector_load_idx %arg11[%parallel_loop3A_583] : memref<1120xf32, #tpu.memory_space<vmem>>[vector<16xi32>], vector<16xf32>,
          %parallel_loop3A_586 = tpu.vector_load_idx %arg12[%parallel_loop3A_583] : memref<1120xi32, #tpu.memory_space<vmem>>[vector<16xi32>], vector<16xi32>,
          %parallel_loop3A_587 = arith.cmpf ogt, %parallel_loop3A_584, %gather3A_429 : vector<16xf32>
          %parallel_loop3A_588 = arith.cmpf ogt, %parallel_loop3A_585, %gather3A_433 : vector<16xf32>
          %parallel_loop3A_589 = arith.andi %parallel_loop3A_587, %parallel_loop3A_588 : vector<16xi1>
          %parallel_loop3A_590 = arith.cmpf olt, %parallel_loop3A_584, %gather3A_437 : vector<16xf32>
          %parallel_loop3A_591 = arith.andi %parallel_loop3A_589, %parallel_loop3A_590 : vector<16xi1>
          %parallel_loop3A_592 = arith.cmpf olt, %parallel_loop3A_585, %gather3A_441 : vector<16xf32>
          %parallel_loop3A_593 = arith.andi %parallel_loop3A_591, %parallel_loop3A_592 : vector<16xi1>
          %parallel_loop3A_594 = arith.select %parallel_loop3A_593, %parallel_loop3A_586, %parallel_loop3A_556 : vector<16xi1>, vector<16xi32>
          %parallel_loop3A_595 = arith.cmpf ogt, %parallel_loop3A_584, %gather3A_445 : vector<16xf32>
          %parallel_loop3A_596 = arith.cmpf ogt, %parallel_loop3A_585, %gather3A_449 : vector<16xf32>
          %parallel_loop3A_597 = arith.andi %parallel_loop3A_595, %parallel_loop3A_596 : vector<16xi1>
          %parallel_loop3A_598 = arith.cmpf olt, %parallel_loop3A_584, %gather3A_453 : vector<16xf32>
          %parallel_loop3A_599 = arith.andi %parallel_loop3A_597, %parallel_loop3A_598 : vector<16xi1>
          %parallel_loop3A_600 = arith.cmpf olt, %parallel_loop3A_585, %gather3A_457 : vector<16xf32>
          %parallel_loop3A_601 = arith.andi %parallel_loop3A_599, %parallel_loop3A_600 : vector<16xi1>
          %parallel_loop3A_602 = arith.select %parallel_loop3A_601, %parallel_loop3A_586, %parallel_loop3A_564 : vector<16xi1>, vector<16xi32>
          %parallel_loop3A_603 = arith.cmpf ogt, %parallel_loop3A_584, %gather3A_461 : vector<16xf32>
          %parallel_loop3A_604 = arith.cmpf ogt, %parallel_loop3A_585, %gather3A_465 : vector<16xf32>
          %parallel_loop3A_605 = arith.andi %parallel_loop3A_603, %parallel_loop3A_604 : vector<16xi1>
          %parallel_loop3A_606 = arith.cmpf olt, %parallel_loop3A_584, %gather3A_469 : vector<16xf32>
          %parallel_loop3A_607 = arith.andi %parallel_loop3A_605, %parallel_loop3A_606 : vector<16xi1>
          %parallel_loop3A_608 = arith.cmpf olt, %parallel_loop3A_585, %gather3A_473 : vector<16xf32>
          %parallel_loop3A_609 = arith.andi %parallel_loop3A_607, %parallel_loop3A_608 : vector<16xi1>
          %parallel_loop3A_610 = arith.select %parallel_loop3A_609, %parallel_loop3A_586, %parallel_loop3A_572 : vector<16xi1>, vector<16xi32>
          %parallel_loop3A_611 = arith.cmpf ogt, %parallel_loop3A_584, %gather3A_477 : vector<16xf32>
          %parallel_loop3A_612 = arith.cmpf ogt, %parallel_loop3A_585, %gather3A_481 : vector<16xf32>
          %parallel_loop3A_613 = arith.andi %parallel_loop3A_611, %parallel_loop3A_612 : vector<16xi1>
          %parallel_loop3A_614 = arith.cmpf olt, %parallel_loop3A_584, %gather3A_485 : vector<16xf32>
          %parallel_loop3A_615 = arith.andi %parallel_loop3A_613, %parallel_loop3A_614 : vector<16xi1>
          %parallel_loop3A_616 = arith.cmpf olt, %parallel_loop3A_585, %gather3A_489 : vector<16xf32>
          %parallel_loop3A_617 = arith.andi %parallel_loop3A_615, %parallel_loop3A_616 : vector<16xi1>
          %parallel_loop3A_618 = arith.select %parallel_loop3A_617, %parallel_loop3A_586, %parallel_loop3A_580 : vector<16xi1>, vector<16xi32>
          %parallel_loop3A_619 = arith.constant 3 : i32
          %parallel_loop3A_620 = arith.addi %parallel_loop3A_504, %parallel_loop3A_619 : i32
          %parallel_loop3A_621 = vector.broadcast %parallel_loop3A_620 : i32 to vector<16xi32>
          %parallel_loop3A_622 = tpu.vector_load_idx %arg10[%parallel_loop3A_621] : memref<1120xf32, #tpu.memory_space<vmem>>[vector<16xi32>], vector<16xf32>,
          %parallel_loop3A_623 = tpu.vector_load_idx %arg11[%parallel_loop3A_621] : memref<1120xf32, #tpu.memory_space<vmem>>[vector<16xi32>], vector<16xf32>,
          %parallel_loop3A_624 = tpu.vector_load_idx %arg12[%parallel_loop3A_621] : memref<1120xi32, #tpu.memory_space<vmem>>[vector<16xi32>], vector<16xi32>,
          %parallel_loop3A_625 = arith.cmpf ogt, %parallel_loop3A_622, %gather3A_429 : vector<16xf32>
          %parallel_loop3A_626 = arith.cmpf ogt, %parallel_loop3A_623, %gather3A_433 : vector<16xf32>
          %parallel_loop3A_627 = arith.andi %parallel_loop3A_625, %parallel_loop3A_626 : vector<16xi1>
          %parallel_loop3A_628 = arith.cmpf olt, %parallel_loop3A_622, %gather3A_437 : vector<16xf32>
          %parallel_loop3A_629 = arith.andi %parallel_loop3A_627, %parallel_loop3A_628 : vector<16xi1>
          %parallel_loop3A_630 = arith.cmpf olt, %parallel_loop3A_623, %gather3A_441 : vector<16xf32>
          %parallel_loop3A_631 = arith.andi %parallel_loop3A_629, %parallel_loop3A_630 : vector<16xi1>
          %parallel_loop3A_632 = arith.select %parallel_loop3A_631, %parallel_loop3A_624, %parallel_loop3A_594 : vector<16xi1>, vector<16xi32>
          %parallel_loop3A_633 = arith.cmpf ogt, %parallel_loop3A_622, %gather3A_445 : vector<16xf32>
          %parallel_loop3A_634 = arith.cmpf ogt, %parallel_loop3A_623, %gather3A_449 : vector<16xf32>
          %parallel_loop3A_635 = arith.andi %parallel_loop3A_633, %parallel_loop3A_634 : vector<16xi1>
          %parallel_loop3A_636 = arith.cmpf olt, %parallel_loop3A_622, %gather3A_453 : vector<16xf32>
          %parallel_loop3A_637 = arith.andi %parallel_loop3A_635, %parallel_loop3A_636 : vector<16xi1>
          %parallel_loop3A_638 = arith.cmpf olt, %parallel_loop3A_623, %gather3A_457 : vector<16xf32>
          %parallel_loop3A_639 = arith.andi %parallel_loop3A_637, %parallel_loop3A_638 : vector<16xi1>
          %parallel_loop3A_640 = arith.select %parallel_loop3A_639, %parallel_loop3A_624, %parallel_loop3A_602 : vector<16xi1>, vector<16xi32>
          %parallel_loop3A_641 = arith.cmpf ogt, %parallel_loop3A_622, %gather3A_461 : vector<16xf32>
          %parallel_loop3A_642 = arith.cmpf ogt, %parallel_loop3A_623, %gather3A_465 : vector<16xf32>
          %parallel_loop3A_643 = arith.andi %parallel_loop3A_641, %parallel_loop3A_642 : vector<16xi1>
          %parallel_loop3A_644 = arith.cmpf olt, %parallel_loop3A_622, %gather3A_469 : vector<16xf32>
          %parallel_loop3A_645 = arith.andi %parallel_loop3A_643, %parallel_loop3A_644 : vector<16xi1>
          %parallel_loop3A_646 = arith.cmpf olt, %parallel_loop3A_623, %gather3A_473 : vector<16xf32>
          %parallel_loop3A_647 = arith.andi %parallel_loop3A_645, %parallel_loop3A_646 : vector<16xi1>
          %parallel_loop3A_648 = arith.select %parallel_loop3A_647, %parallel_loop3A_624, %parallel_loop3A_610 : vector<16xi1>, vector<16xi32>
          %parallel_loop3A_649 = arith.cmpf ogt, %parallel_loop3A_622, %gather3A_477 : vector<16xf32>
          %parallel_loop3A_650 = arith.cmpf ogt, %parallel_loop3A_623, %gather3A_481 : vector<16xf32>
          %parallel_loop3A_651 = arith.andi %parallel_loop3A_649, %parallel_loop3A_650 : vector<16xi1>
          %parallel_loop3A_652 = arith.cmpf olt, %parallel_loop3A_622, %gather3A_485 : vector<16xf32>
          %parallel_loop3A_653 = arith.andi %parallel_loop3A_651, %parallel_loop3A_652 : vector<16xi1>
          %parallel_loop3A_654 = arith.cmpf olt, %parallel_loop3A_623, %gather3A_489 : vector<16xf32>
          %parallel_loop3A_655 = arith.andi %parallel_loop3A_653, %parallel_loop3A_654 : vector<16xi1>
          %parallel_loop3A_656 = arith.select %parallel_loop3A_655, %parallel_loop3A_624, %parallel_loop3A_618 : vector<16xi1>, vector<16xi32>
          scf.yield %parallel_loop3A_632, %parallel_loop3A_640, %parallel_loop3A_648, %parallel_loop3A_656 : vector<16xi32>, vector<16xi32>, vector<16xi32>, vector<16xi32>
        } {sc.loop_unroll_factor = 1 : i64, sc.parallel_access}
        tpu.vector_store_idx %arg13[%add3A_391], %parallel_loop3A_496#0 : memref<688xi32, #tpu.memory_space<vmem>>[vector<16xi32>], vector<16xi32>,
        tpu.vector_store_idx %arg13[%add3A_397], %parallel_loop3A_496#1 : memref<688xi32, #tpu.memory_space<vmem>>[vector<16xi32>], vector<16xi32>,
        tpu.vector_store_idx %arg13[%add3A_403], %parallel_loop3A_496#2 : memref<688xi32, #tpu.memory_space<vmem>>[vector<16xi32>], vector<16xi32>,
        tpu.vector_store_idx %arg13[%add3A_409], %parallel_loop3A_496#3 : memref<688xi32, #tpu.memory_space<vmem>>[vector<16xi32>], vector<16xi32>,
      } else {
      }
    }
    %scan3A_241 = arith.constant 10 : i32
    %mul3A_242 = arith.constant 512 : i32
    %mul3A_243 = arith.muli %mul3A_242, %add3A : i32
    %multiple_of3A_244 = tpu.assume_multiple %mul3A_243, 16 : i32
    %dma_start3A_245 = arith.constant 0 : i32
    %dma_start3A_246 = tpu.memref_slice %arg13[%dma_start3A_245] : memref<688xi32, #tpu.memory_space<vmem>> -> memref<512xi32, #tpu.memory_space<vmem>>
    %dma_start3A_247 = tpu.memref_slice %arg7[%multiple_of3A_244] : memref<21824xi32, #tpu.memory_space<hbm>> -> memref<512xi32, #tpu.memory_space<hbm>>
    %dma_start3A_248 = tpu.memref_slice %arg7[%multiple_of3A_244] : memref<21824xi32, #tpu.memory_space<hbm>> -> memref<512xi32, #tpu.memory_space<hbm>>
    %dma_start3A_249 = arith.constant 0 : i32
    %dma_start3A_250 = tpu.memref_slice %arg13[%dma_start3A_249] : memref<688xi32, #tpu.memory_space<vmem>> -> memref<512xi32, #tpu.memory_space<vmem>>
    tpu.enqueue_dma source(%dma_start3A_250 : memref<512xi32, #tpu.memory_space<vmem>>) target(%dma_start3A_248 : memref<512xi32, #tpu.memory_space<hbm>>) target_semaphore(%arg15 : memref<!tpu.dma_semaphore, #tpu.memory_space<semaphore_mem>>)
    %mul3A_251 = arith.constant 128 : i32
    %mul3A_252 = arith.muli %mul3A_251, %add3A : i32
    %add3A_253 = arith.constant 16384 : i32
    %add3A_254 = arith.addi %add3A_253, %mul3A_252 : i32
    %multiple_of3A_255 = tpu.assume_multiple %add3A_254, 16 : i32
    %dma_start3A_256 = arith.constant 512 : i32
    %dma_start3A_257 = tpu.memref_slice %arg13[%dma_start3A_256] : memref<688xi32, #tpu.memory_space<vmem>> -> memref<128xi32, #tpu.memory_space<vmem>>
    %dma_start3A_258 = tpu.memref_slice %arg7[%multiple_of3A_255] : memref<21824xi32, #tpu.memory_space<hbm>> -> memref<128xi32, #tpu.memory_space<hbm>>
    %dma_start3A_259 = tpu.memref_slice %arg7[%multiple_of3A_255] : memref<21824xi32, #tpu.memory_space<hbm>> -> memref<128xi32, #tpu.memory_space<hbm>>
    %dma_start3A_260 = arith.constant 512 : i32
    %dma_start3A_261 = tpu.memref_slice %arg13[%dma_start3A_260] : memref<688xi32, #tpu.memory_space<vmem>> -> memref<128xi32, #tpu.memory_space<vmem>>
    tpu.enqueue_dma source(%dma_start3A_261 : memref<128xi32, #tpu.memory_space<vmem>>) target(%dma_start3A_259 : memref<128xi32, #tpu.memory_space<hbm>>) target_semaphore(%arg16 : memref<!tpu.dma_semaphore, #tpu.memory_space<semaphore_mem>>)
    %add3A_262 = arith.constant 640 : i32
    %add3A_263 = vector.broadcast %add3A_262 : i32 to vector<16xi32>
    %add3A_264 = arith.addi %iota3A, %add3A_263 : vector<16xi32>
    %add3A_265 = arith.constant 656 : i32
    %add3A_266 = vector.broadcast %add3A_265 : i32 to vector<16xi32>
    %add3A_267 = arith.addi %iota3A, %add3A_266 : vector<16xi32>
    %add3A_268 = arith.constant 1 : i32
    %add3A_269 = arith.addi %reduce_max3A_126, %add3A_268 : i32
    %shift_right_arithmetic3A = arith.constant 1 : i32
    %shift_right_arithmetic3A_270 = arith.shrsi %add3A_269, %shift_right_arithmetic3A : i32
    %add3A_271 = arith.constant 0 : i32
    %add3A_272 = vector.broadcast %add3A_271 : i32 to vector<16xi32>
    %add3A_273 = arith.addi %add3A_264, %add3A_272 : vector<16xi32>
    %gather3A = tpu.vector_load_idx %arg8[%add3A_273] : memref<2752xf32, #tpu.memory_space<vmem>>[vector<16xi32>], vector<16xf32>,
    %add3A_274 = arith.constant 688 : i32
    %add3A_275 = vector.broadcast %add3A_274 : i32 to vector<16xi32>
    %add3A_276 = arith.addi %add3A_264, %add3A_275 : vector<16xi32>
    %gather3A_277 = tpu.vector_load_idx %arg8[%add3A_276] : memref<2752xf32, #tpu.memory_space<vmem>>[vector<16xi32>], vector<16xf32>,
    %add3A_278 = arith.constant 1376 : i32
    %add3A_279 = vector.broadcast %add3A_278 : i32 to vector<16xi32>
    %add3A_280 = arith.addi %add3A_264, %add3A_279 : vector<16xi32>
    %gather3A_281 = tpu.vector_load_idx %arg8[%add3A_280] : memref<2752xf32, #tpu.memory_space<vmem>>[vector<16xi32>], vector<16xf32>,
    %add3A_282 = arith.constant 2064 : i32
    %add3A_283 = vector.broadcast %add3A_282 : i32 to vector<16xi32>
    %add3A_284 = arith.addi %add3A_264, %add3A_283 : vector<16xi32>
    %gather3A_285 = tpu.vector_load_idx %arg8[%add3A_284] : memref<2752xf32, #tpu.memory_space<vmem>>[vector<16xi32>], vector<16xf32>,
    %add3A_286 = arith.constant 0 : i32
    %add3A_287 = vector.broadcast %add3A_286 : i32 to vector<16xi32>
    %add3A_288 = arith.addi %add3A_267, %add3A_287 : vector<16xi32>
    %gather3A_289 = tpu.vector_load_idx %arg8[%add3A_288] : memref<2752xf32, #tpu.memory_space<vmem>>[vector<16xi32>], vector<16xf32>,
    %add3A_290 = arith.constant 688 : i32
    %add3A_291 = vector.broadcast %add3A_290 : i32 to vector<16xi32>
    %add3A_292 = arith.addi %add3A_267, %add3A_291 : vector<16xi32>
    %gather3A_293 = tpu.vector_load_idx %arg8[%add3A_292] : memref<2752xf32, #tpu.memory_space<vmem>>[vector<16xi32>], vector<16xf32>,
    %add3A_294 = arith.constant 1376 : i32
    %add3A_295 = vector.broadcast %add3A_294 : i32 to vector<16xi32>
    %add3A_296 = arith.addi %add3A_267, %add3A_295 : vector<16xi32>
    %gather3A_297 = tpu.vector_load_idx %arg8[%add3A_296] : memref<2752xf32, #tpu.memory_space<vmem>>[vector<16xi32>], vector<16xf32>,
    %add3A_298 = arith.constant 2064 : i32
    %add3A_299 = vector.broadcast %add3A_298 : i32 to vector<16xi32>
    %add3A_300 = arith.addi %add3A_267, %add3A_299 : vector<16xi32>
    %gather3A_301 = tpu.vector_load_idx %arg8[%add3A_300] : memref<2752xf32, #tpu.memory_space<vmem>>[vector<16xi32>], vector<16xf32>,
    %add3A_302 = arith.constant 448 : i32
    %add3A_303 = arith.addi %add3A_302, %shift_right_arithmetic3A_270 : i32
    %add3A_304 = arith.constant 448 : i32
    %add3A_305 = arith.addi %add3A_304, %shift_right_arithmetic3A_270 : i32
    %parallel_loop3A = arith.constant 0 : i32
    %parallel_loop3A_306 = arith.constant 1 : i32
    %parallel_loop3A_307:4 = scf.for %parallel_loop3A_385 = %parallel_loop3A to %shift_right_arithmetic3A_270 step %parallel_loop3A_306 iter_args(%parallel_loop3A_386 = %broadcast_in_dim3A_235, %parallel_loop3A_387 = %broadcast_in_dim3A_235, %parallel_loop3A_388 = %broadcast_in_dim3A_235, %parallel_loop3A_389 = %broadcast_in_dim3A_235) -> (vector<16xi32>, vector<16xi32>, vector<16xi32>, vector<16xi32>)  : i32 {
      %parallel_loop3A_390 = arith.constant 448 : i32
      %parallel_loop3A_391 = arith.addi %parallel_loop3A_390, %parallel_loop3A_385 : i32
      %parallel_loop3A_392 = vector.broadcast %parallel_loop3A_391 : i32 to vector<16xi32>
      %parallel_loop3A_393 = tpu.vector_load_idx %arg10[%parallel_loop3A_392] : memref<1120xf32, #tpu.memory_space<vmem>>[vector<16xi32>], vector<16xf32>,
      %parallel_loop3A_394 = tpu.vector_load_idx %arg11[%parallel_loop3A_392] : memref<1120xf32, #tpu.memory_space<vmem>>[vector<16xi32>], vector<16xf32>,
      %parallel_loop3A_395 = tpu.vector_load_idx %arg12[%parallel_loop3A_392] : memref<1120xi32, #tpu.memory_space<vmem>>[vector<16xi32>], vector<16xi32>,
      %parallel_loop3A_396 = arith.cmpf ogt, %parallel_loop3A_393, %gather3A : vector<16xf32>
      %parallel_loop3A_397 = arith.cmpf ogt, %parallel_loop3A_394, %gather3A_277 : vector<16xf32>
      %parallel_loop3A_398 = arith.andi %parallel_loop3A_396, %parallel_loop3A_397 : vector<16xi1>
      %parallel_loop3A_399 = arith.cmpf olt, %parallel_loop3A_393, %gather3A_281 : vector<16xf32>
      %parallel_loop3A_400 = arith.andi %parallel_loop3A_398, %parallel_loop3A_399 : vector<16xi1>
      %parallel_loop3A_401 = arith.cmpf olt, %parallel_loop3A_394, %gather3A_285 : vector<16xf32>
      %parallel_loop3A_402 = arith.andi %parallel_loop3A_400, %parallel_loop3A_401 : vector<16xi1>
      %parallel_loop3A_403 = arith.select %parallel_loop3A_402, %parallel_loop3A_395, %parallel_loop3A_386 : vector<16xi1>, vector<16xi32>
      %parallel_loop3A_404 = arith.constant 448 : i32
      %parallel_loop3A_405 = arith.addi %parallel_loop3A_404, %parallel_loop3A_385 : i32
      %parallel_loop3A_406 = vector.broadcast %parallel_loop3A_405 : i32 to vector<16xi32>
      %parallel_loop3A_407 = tpu.vector_load_idx %arg10[%parallel_loop3A_406] : memref<1120xf32, #tpu.memory_space<vmem>>[vector<16xi32>], vector<16xf32>,
      %parallel_loop3A_408 = tpu.vector_load_idx %arg11[%parallel_loop3A_406] : memref<1120xf32, #tpu.memory_space<vmem>>[vector<16xi32>], vector<16xf32>,
      %parallel_loop3A_409 = tpu.vector_load_idx %arg12[%parallel_loop3A_406] : memref<1120xi32, #tpu.memory_space<vmem>>[vector<16xi32>], vector<16xi32>,
      %parallel_loop3A_410 = arith.cmpf ogt, %parallel_loop3A_407, %gather3A_289 : vector<16xf32>
      %parallel_loop3A_411 = arith.cmpf ogt, %parallel_loop3A_408, %gather3A_293 : vector<16xf32>
      %parallel_loop3A_412 = arith.andi %parallel_loop3A_410, %parallel_loop3A_411 : vector<16xi1>
      %parallel_loop3A_413 = arith.cmpf olt, %parallel_loop3A_407, %gather3A_297 : vector<16xf32>
      %parallel_loop3A_414 = arith.andi %parallel_loop3A_412, %parallel_loop3A_413 : vector<16xi1>
      %parallel_loop3A_415 = arith.cmpf olt, %parallel_loop3A_408, %gather3A_301 : vector<16xf32>
      %parallel_loop3A_416 = arith.andi %parallel_loop3A_414, %parallel_loop3A_415 : vector<16xi1>
      %parallel_loop3A_417 = arith.select %parallel_loop3A_416, %parallel_loop3A_409, %parallel_loop3A_387 : vector<16xi1>, vector<16xi32>
      %parallel_loop3A_418 = arith.addi %add3A_303, %parallel_loop3A_385 : i32
      %parallel_loop3A_419 = vector.broadcast %parallel_loop3A_418 : i32 to vector<16xi32>
      %parallel_loop3A_420 = tpu.vector_load_idx %arg10[%parallel_loop3A_419] : memref<1120xf32, #tpu.memory_space<vmem>>[vector<16xi32>], vector<16xf32>,
      %parallel_loop3A_421 = tpu.vector_load_idx %arg11[%parallel_loop3A_419] : memref<1120xf32, #tpu.memory_space<vmem>>[vector<16xi32>], vector<16xf32>,
      %parallel_loop3A_422 = tpu.vector_load_idx %arg12[%parallel_loop3A_419] : memref<1120xi32, #tpu.memory_space<vmem>>[vector<16xi32>], vector<16xi32>,
      %parallel_loop3A_423 = arith.cmpf ogt, %parallel_loop3A_420, %gather3A : vector<16xf32>
      %parallel_loop3A_424 = arith.cmpf ogt, %parallel_loop3A_421, %gather3A_277 : vector<16xf32>
      %parallel_loop3A_425 = arith.andi %parallel_loop3A_423, %parallel_loop3A_424 : vector<16xi1>
      %parallel_loop3A_426 = arith.cmpf olt, %parallel_loop3A_420, %gather3A_281 : vector<16xf32>
      %parallel_loop3A_427 = arith.andi %parallel_loop3A_425, %parallel_loop3A_426 : vector<16xi1>
      %parallel_loop3A_428 = arith.cmpf olt, %parallel_loop3A_421, %gather3A_285 : vector<16xf32>
      %parallel_loop3A_429 = arith.andi %parallel_loop3A_427, %parallel_loop3A_428 : vector<16xi1>
      %parallel_loop3A_430 = arith.select %parallel_loop3A_429, %parallel_loop3A_422, %parallel_loop3A_388 : vector<16xi1>, vector<16xi32>
      %parallel_loop3A_431 = arith.addi %add3A_305, %parallel_loop3A_385 : i32
      %parallel_loop3A_432 = vector.broadcast %parallel_loop3A_431 : i32 to vector<16xi32>
      %parallel_loop3A_433 = tpu.vector_load_idx %arg10[%parallel_loop3A_432] : memref<1120xf32, #tpu.memory_space<vmem>>[vector<16xi32>], vector<16xf32>,
      %parallel_loop3A_434 = tpu.vector_load_idx %arg11[%parallel_loop3A_432] : memref<1120xf32, #tpu.memory_space<vmem>>[vector<16xi32>], vector<16xf32>,
      %parallel_loop3A_435 = tpu.vector_load_idx %arg12[%parallel_loop3A_432] : memref<1120xi32, #tpu.memory_space<vmem>>[vector<16xi32>], vector<16xi32>,
      %parallel_loop3A_436 = arith.cmpf ogt, %parallel_loop3A_433, %gather3A_289 : vector<16xf32>
      %parallel_loop3A_437 = arith.cmpf ogt, %parallel_loop3A_434, %gather3A_293 : vector<16xf32>
      %parallel_loop3A_438 = arith.andi %parallel_loop3A_436, %parallel_loop3A_437 : vector<16xi1>
      %parallel_loop3A_439 = arith.cmpf olt, %parallel_loop3A_433, %gather3A_297 : vector<16xf32>
      %parallel_loop3A_440 = arith.andi %parallel_loop3A_438, %parallel_loop3A_439 : vector<16xi1>
      %parallel_loop3A_441 = arith.cmpf olt, %parallel_loop3A_434, %gather3A_301 : vector<16xf32>
      %parallel_loop3A_442 = arith.andi %parallel_loop3A_440, %parallel_loop3A_441 : vector<16xi1>
      %parallel_loop3A_443 = arith.select %parallel_loop3A_442, %parallel_loop3A_435, %parallel_loop3A_389 : vector<16xi1>, vector<16xi32>
      scf.yield %parallel_loop3A_403, %parallel_loop3A_417, %parallel_loop3A_430, %parallel_loop3A_443 : vector<16xi32>, vector<16xi32>, vector<16xi32>, vector<16xi32>
    } {sc.loop_unroll_factor = 1 : i64, sc.parallel_access}
    %max3A = arith.maxsi %parallel_loop3A_307#0, %parallel_loop3A_307#2 : vector<16xi32>
    tpu.vector_store_idx %arg13[%add3A_264], %max3A : memref<688xi32, #tpu.memory_space<vmem>>[vector<16xi32>], vector<16xi32>,
    %max3A_308 = arith.maxsi %parallel_loop3A_307#1, %parallel_loop3A_307#3 : vector<16xi32>
    tpu.vector_store_idx %arg13[%add3A_267], %max3A_308 : memref<688xi32, #tpu.memory_space<vmem>>[vector<16xi32>], vector<16xi32>,
    %add3A_309 = arith.constant 672 : i32
    %add3A_310 = vector.broadcast %add3A_309 : i32 to vector<16xi32>
    %add3A_311 = arith.addi %iota3A, %add3A_310 : vector<16xi32>
    %lt3A_312 = arith.constant 16 : i32
    %lt3A_313 = arith.cmpi slt, %add3A, %lt3A_312 : i32
    %jit3A = arith.constant 672 : i32
    %jit3A_314 = arith.constant 896 : i32
    %select_n3A = arith.select %lt3A_313, %jit3A, %jit3A_314 : i32
    %lt3A_315 = arith.constant 16 : i32
    %lt3A_316 = arith.cmpi slt, %add3A, %lt3A_315 : i32
    %select_n3A_317 = arith.select %lt3A_316, %reduce_max3A_134, %reduce_max3A_142 : i32
    %jit3A_318 = arith.constant 0 : i32
    %select_n3A_319 = arith.select %lt3A_86, %select_n3A_317, %jit3A_318 : i32
    %add3A_320 = arith.constant 3 : i32
    %add3A_321 = arith.addi %select_n3A_319, %add3A_320 : i32
    %shift_right_arithmetic3A_322 = arith.constant 2 : i32
    %shift_right_arithmetic3A_323 = arith.shrsi %add3A_321, %shift_right_arithmetic3A_322 : i32
    %add3A_324 = arith.constant 0 : i32
    %add3A_325 = vector.broadcast %add3A_324 : i32 to vector<16xi32>
    %add3A_326 = arith.addi %add3A_311, %add3A_325 : vector<16xi32>
    %gather3A_327 = tpu.vector_load_idx %arg8[%add3A_326] : memref<2752xf32, #tpu.memory_space<vmem>>[vector<16xi32>], vector<16xf32>,
    %add3A_328 = arith.constant 688 : i32
    %add3A_329 = vector.broadcast %add3A_328 : i32 to vector<16xi32>
    %add3A_330 = arith.addi %add3A_311, %add3A_329 : vector<16xi32>
    %gather3A_331 = tpu.vector_load_idx %arg8[%add3A_330] : memref<2752xf32, #tpu.memory_space<vmem>>[vector<16xi32>], vector<16xf32>,
    %add3A_332 = arith.constant 1376 : i32
    %add3A_333 = vector.broadcast %add3A_332 : i32 to vector<16xi32>
    %add3A_334 = arith.addi %add3A_311, %add3A_333 : vector<16xi32>
    %gather3A_335 = tpu.vector_load_idx %arg8[%add3A_334] : memref<2752xf32, #tpu.memory_space<vmem>>[vector<16xi32>], vector<16xf32>,
    %add3A_336 = arith.constant 2064 : i32
    %add3A_337 = vector.broadcast %add3A_336 : i32 to vector<16xi32>
    %add3A_338 = arith.addi %add3A_311, %add3A_337 : vector<16xi32>
    %gather3A_339 = tpu.vector_load_idx %arg8[%add3A_338] : memref<2752xf32, #tpu.memory_space<vmem>>[vector<16xi32>], vector<16xf32>,
    %add3A_340 = arith.addi %select_n3A, %shift_right_arithmetic3A_323 : i32
    %mul3A_341 = arith.constant 2 : i32
    %mul3A_342 = arith.muli %mul3A_341, %shift_right_arithmetic3A_323 : i32
    %add3A_343 = arith.addi %select_n3A, %mul3A_342 : i32
    %mul3A_344 = arith.constant 3 : i32
    %mul3A_345 = arith.muli %mul3A_344, %shift_right_arithmetic3A_323 : i32
    %add3A_346 = arith.addi %select_n3A, %mul3A_345 : i32
    %parallel_loop3A_347 = arith.constant 0 : i32
    %parallel_loop3A_348 = arith.constant 1 : i32
    %parallel_loop3A_349:4 = scf.for %parallel_loop3A_385 = %parallel_loop3A_347 to %shift_right_arithmetic3A_323 step %parallel_loop3A_348 iter_args(%parallel_loop3A_386 = %broadcast_in_dim3A_235, %parallel_loop3A_387 = %broadcast_in_dim3A_235, %parallel_loop3A_388 = %broadcast_in_dim3A_235, %parallel_loop3A_389 = %broadcast_in_dim3A_235) -> (vector<16xi32>, vector<16xi32>, vector<16xi32>, vector<16xi32>)  : i32 {
      %parallel_loop3A_390 = arith.addi %select_n3A, %parallel_loop3A_385 : i32
      %parallel_loop3A_391 = vector.broadcast %parallel_loop3A_390 : i32 to vector<16xi32>
      %parallel_loop3A_392 = tpu.vector_load_idx %arg10[%parallel_loop3A_391] : memref<1120xf32, #tpu.memory_space<vmem>>[vector<16xi32>], vector<16xf32>,
      %parallel_loop3A_393 = tpu.vector_load_idx %arg11[%parallel_loop3A_391] : memref<1120xf32, #tpu.memory_space<vmem>>[vector<16xi32>], vector<16xf32>,
      %parallel_loop3A_394 = tpu.vector_load_idx %arg12[%parallel_loop3A_391] : memref<1120xi32, #tpu.memory_space<vmem>>[vector<16xi32>], vector<16xi32>,
      %parallel_loop3A_395 = arith.cmpf ogt, %parallel_loop3A_392, %gather3A_327 : vector<16xf32>
      %parallel_loop3A_396 = arith.cmpf ogt, %parallel_loop3A_393, %gather3A_331 : vector<16xf32>
      %parallel_loop3A_397 = arith.andi %parallel_loop3A_395, %parallel_loop3A_396 : vector<16xi1>
      %parallel_loop3A_398 = arith.cmpf olt, %parallel_loop3A_392, %gather3A_335 : vector<16xf32>
      %parallel_loop3A_399 = arith.andi %parallel_loop3A_397, %parallel_loop3A_398 : vector<16xi1>
      %parallel_loop3A_400 = arith.cmpf olt, %parallel_loop3A_393, %gather3A_339 : vector<16xf32>
      %parallel_loop3A_401 = arith.andi %parallel_loop3A_399, %parallel_loop3A_400 : vector<16xi1>
      %parallel_loop3A_402 = arith.select %parallel_loop3A_401, %parallel_loop3A_394, %parallel_loop3A_386 : vector<16xi1>, vector<16xi32>
      %parallel_loop3A_403 = arith.addi %add3A_340, %parallel_loop3A_385 : i32
      %parallel_loop3A_404 = vector.broadcast %parallel_loop3A_403 : i32 to vector<16xi32>
      %parallel_loop3A_405 = tpu.vector_load_idx %arg10[%parallel_loop3A_404] : memref<1120xf32, #tpu.memory_space<vmem>>[vector<16xi32>], vector<16xf32>,
      %parallel_loop3A_406 = tpu.vector_load_idx %arg11[%parallel_loop3A_404] : memref<1120xf32, #tpu.memory_space<vmem>>[vector<16xi32>], vector<16xf32>,
      %parallel_loop3A_407 = tpu.vector_load_idx %arg12[%parallel_loop3A_404] : memref<1120xi32, #tpu.memory_space<vmem>>[vector<16xi32>], vector<16xi32>,
      %parallel_loop3A_408 = arith.cmpf ogt, %parallel_loop3A_405, %gather3A_327 : vector<16xf32>
      %parallel_loop3A_409 = arith.cmpf ogt, %parallel_loop3A_406, %gather3A_331 : vector<16xf32>
      %parallel_loop3A_410 = arith.andi %parallel_loop3A_408, %parallel_loop3A_409 : vector<16xi1>
      %parallel_loop3A_411 = arith.cmpf olt, %parallel_loop3A_405, %gather3A_335 : vector<16xf32>
      %parallel_loop3A_412 = arith.andi %parallel_loop3A_410, %parallel_loop3A_411 : vector<16xi1>
      %parallel_loop3A_413 = arith.cmpf olt, %parallel_loop3A_406, %gather3A_339 : vector<16xf32>
      %parallel_loop3A_414 = arith.andi %parallel_loop3A_412, %parallel_loop3A_413 : vector<16xi1>
      %parallel_loop3A_415 = arith.select %parallel_loop3A_414, %parallel_loop3A_407, %parallel_loop3A_387 : vector<16xi1>, vector<16xi32>
      %parallel_loop3A_416 = arith.addi %add3A_343, %parallel_loop3A_385 : i32
      %parallel_loop3A_417 = vector.broadcast %parallel_loop3A_416 : i32 to vector<16xi32>
      %parallel_loop3A_418 = tpu.vector_load_idx %arg10[%parallel_loop3A_417] : memref<1120xf32, #tpu.memory_space<vmem>>[vector<16xi32>], vector<16xf32>,
      %parallel_loop3A_419 = tpu.vector_load_idx %arg11[%parallel_loop3A_417] : memref<1120xf32, #tpu.memory_space<vmem>>[vector<16xi32>], vector<16xf32>,
      %parallel_loop3A_420 = tpu.vector_load_idx %arg12[%parallel_loop3A_417] : memref<1120xi32, #tpu.memory_space<vmem>>[vector<16xi32>], vector<16xi32>,
      %parallel_loop3A_421 = arith.cmpf ogt, %parallel_loop3A_418, %gather3A_327 : vector<16xf32>
      %parallel_loop3A_422 = arith.cmpf ogt, %parallel_loop3A_419, %gather3A_331 : vector<16xf32>
      %parallel_loop3A_423 = arith.andi %parallel_loop3A_421, %parallel_loop3A_422 : vector<16xi1>
      %parallel_loop3A_424 = arith.cmpf olt, %parallel_loop3A_418, %gather3A_335 : vector<16xf32>
      %parallel_loop3A_425 = arith.andi %parallel_loop3A_423, %parallel_loop3A_424 : vector<16xi1>
      %parallel_loop3A_426 = arith.cmpf olt, %parallel_loop3A_419, %gather3A_339 : vector<16xf32>
      %parallel_loop3A_427 = arith.andi %parallel_loop3A_425, %parallel_loop3A_426 : vector<16xi1>
      %parallel_loop3A_428 = arith.select %parallel_loop3A_427, %parallel_loop3A_420, %parallel_loop3A_388 : vector<16xi1>, vector<16xi32>
      %parallel_loop3A_429 = arith.addi %add3A_346, %parallel_loop3A_385 : i32
      %parallel_loop3A_430 = vector.broadcast %parallel_loop3A_429 : i32 to vector<16xi32>
      %parallel_loop3A_431 = tpu.vector_load_idx %arg10[%parallel_loop3A_430] : memref<1120xf32, #tpu.memory_space<vmem>>[vector<16xi32>], vector<16xf32>,
      %parallel_loop3A_432 = tpu.vector_load_idx %arg11[%parallel_loop3A_430] : memref<1120xf32, #tpu.memory_space<vmem>>[vector<16xi32>], vector<16xf32>,
      %parallel_loop3A_433 = tpu.vector_load_idx %arg12[%parallel_loop3A_430] : memref<1120xi32, #tpu.memory_space<vmem>>[vector<16xi32>], vector<16xi32>,
      %parallel_loop3A_434 = arith.cmpf ogt, %parallel_loop3A_431, %gather3A_327 : vector<16xf32>
      %parallel_loop3A_435 = arith.cmpf ogt, %parallel_loop3A_432, %gather3A_331 : vector<16xf32>
      %parallel_loop3A_436 = arith.andi %parallel_loop3A_434, %parallel_loop3A_435 : vector<16xi1>
      %parallel_loop3A_437 = arith.cmpf olt, %parallel_loop3A_431, %gather3A_335 : vector<16xf32>
      %parallel_loop3A_438 = arith.andi %parallel_loop3A_436, %parallel_loop3A_437 : vector<16xi1>
      %parallel_loop3A_439 = arith.cmpf olt, %parallel_loop3A_432, %gather3A_339 : vector<16xf32>
      %parallel_loop3A_440 = arith.andi %parallel_loop3A_438, %parallel_loop3A_439 : vector<16xi1>
      %parallel_loop3A_441 = arith.select %parallel_loop3A_440, %parallel_loop3A_433, %parallel_loop3A_389 : vector<16xi1>, vector<16xi32>
      scf.yield %parallel_loop3A_402, %parallel_loop3A_415, %parallel_loop3A_428, %parallel_loop3A_441 : vector<16xi32>, vector<16xi32>, vector<16xi32>, vector<16xi32>
    } {sc.loop_unroll_factor = 1 : i64, sc.parallel_access}
    %max3A_350 = arith.maxsi %parallel_loop3A_349#0, %parallel_loop3A_349#1 : vector<16xi32>
    %max3A_351 = arith.maxsi %parallel_loop3A_349#2, %parallel_loop3A_349#3 : vector<16xi32>
    %max3A_352 = arith.maxsi %max3A_350, %max3A_351 : vector<16xi32>
    tpu.vector_store_idx %arg13[%add3A_311], %max3A_352 : memref<688xi32, #tpu.memory_space<vmem>>[vector<16xi32>], vector<16xi32>,
    %mul3A_353 = arith.constant 32 : i32
    %mul3A_354 = arith.muli %mul3A_353, %add3A : i32
    %add3A_355 = arith.constant 20480 : i32
    %add3A_356 = arith.addi %add3A_355, %mul3A_354 : i32
    %multiple_of3A_357 = tpu.assume_multiple %add3A_356, 16 : i32
    %dma_start3A_358 = arith.constant 640 : i32
    %dma_start3A_359 = tpu.memref_slice %arg13[%dma_start3A_358] : memref<688xi32, #tpu.memory_space<vmem>> -> memref<32xi32, #tpu.memory_space<vmem>>
    %dma_start3A_360 = tpu.memref_slice %arg7[%multiple_of3A_357] : memref<21824xi32, #tpu.memory_space<hbm>> -> memref<32xi32, #tpu.memory_space<hbm>>
    %dma_start3A_361 = tpu.memref_slice %arg7[%multiple_of3A_357] : memref<21824xi32, #tpu.memory_space<hbm>> -> memref<32xi32, #tpu.memory_space<hbm>>
    %dma_start3A_362 = arith.constant 640 : i32
    %dma_start3A_363 = tpu.memref_slice %arg13[%dma_start3A_362] : memref<688xi32, #tpu.memory_space<vmem>> -> memref<32xi32, #tpu.memory_space<vmem>>
    tpu.enqueue_dma source(%dma_start3A_363 : memref<32xi32, #tpu.memory_space<vmem>>) target(%dma_start3A_361 : memref<32xi32, #tpu.memory_space<hbm>>) target_semaphore(%arg17 : memref<!tpu.dma_semaphore, #tpu.memory_space<semaphore_mem>>)
    %convert_element_type3A_364 = arith.extui %lt3A_86 : i1 to i32
    %cond3A_365 = arith.constant 0 : i32
    %cond3A_366 = arith.cmpi ne, %convert_element_type3A_364, %cond3A_365 : i32
    scf.if %cond3A_366 {
      %mul3A_385 = arith.constant 16 : i32
      %mul3A_386 = arith.muli %mul3A_385, %add3A : i32
      %add3A_387 = arith.constant 21504 : i32
      %add3A_388 = arith.addi %add3A_387, %mul3A_386 : i32
      %multiple_of3A_389 = tpu.assume_multiple %add3A_388, 16 : i32
      %dma_start3A_390 = arith.constant 672 : i32
      %dma_start3A_391 = tpu.memref_slice %arg13[%dma_start3A_390] : memref<688xi32, #tpu.memory_space<vmem>> -> memref<16xi32, #tpu.memory_space<vmem>>
      %dma_start3A_392 = tpu.memref_slice %arg7[%multiple_of3A_389] : memref<21824xi32, #tpu.memory_space<hbm>> -> memref<16xi32, #tpu.memory_space<hbm>>
      %dma_start3A_393 = tpu.memref_slice %arg7[%multiple_of3A_389] : memref<21824xi32, #tpu.memory_space<hbm>> -> memref<16xi32, #tpu.memory_space<hbm>>
      %dma_start3A_394 = arith.constant 672 : i32
      %dma_start3A_395 = tpu.memref_slice %arg13[%dma_start3A_394] : memref<688xi32, #tpu.memory_space<vmem>> -> memref<16xi32, #tpu.memory_space<vmem>>
      tpu.enqueue_dma source(%dma_start3A_395 : memref<16xi32, #tpu.memory_space<vmem>>) target(%dma_start3A_393 : memref<16xi32, #tpu.memory_space<hbm>>) target_semaphore(%arg18 : memref<!tpu.dma_semaphore, #tpu.memory_space<semaphore_mem>>)
      %dma_wait3A_396 = arith.constant 672 : i32
      %dma_wait3A_397 = tpu.memref_slice %arg13[%dma_wait3A_396] : memref<688xi32, #tpu.memory_space<vmem>> -> memref<16xi32, #tpu.memory_space<vmem>>
      %dma_wait3A_398 = tpu.memref_slice %arg7[%multiple_of3A_389] : memref<21824xi32, #tpu.memory_space<hbm>> -> memref<16xi32, #tpu.memory_space<hbm>>
      %dma_wait3A_399 = tpu.memref_slice %arg7[%multiple_of3A_389] : memref<21824xi32, #tpu.memory_space<hbm>> -> memref<16xi32, #tpu.memory_space<hbm>>
      %dma_wait3A_400 = arith.constant 672 : i32
      %dma_wait3A_401 = tpu.memref_slice %arg13[%dma_wait3A_400] : memref<688xi32, #tpu.memory_space<vmem>> -> memref<16xi32, #tpu.memory_space<vmem>>
      tpu.wait_dma2 semaphore(%arg18 : memref<!tpu.dma_semaphore, #tpu.memory_space<semaphore_mem>>) src(%dma_wait3A_401 : memref<16xi32, #tpu.memory_space<vmem>>) dst(%dma_wait3A_399 : memref<16xi32, #tpu.memory_space<hbm>>)
    } else {
    }
    %dma_wait3A_367 = arith.constant 0 : i32
    %dma_wait3A_368 = tpu.memref_slice %arg13[%dma_wait3A_367] : memref<688xi32, #tpu.memory_space<vmem>> -> memref<512xi32, #tpu.memory_space<vmem>>
    %dma_wait3A_369 = tpu.memref_slice %arg7[%multiple_of3A_244] : memref<21824xi32, #tpu.memory_space<hbm>> -> memref<512xi32, #tpu.memory_space<hbm>>
    %dma_wait3A_370 = tpu.memref_slice %arg7[%multiple_of3A_244] : memref<21824xi32, #tpu.memory_space<hbm>> -> memref<512xi32, #tpu.memory_space<hbm>>
    %dma_wait3A_371 = arith.constant 0 : i32
    %dma_wait3A_372 = tpu.memref_slice %arg13[%dma_wait3A_371] : memref<688xi32, #tpu.memory_space<vmem>> -> memref<512xi32, #tpu.memory_space<vmem>>
    tpu.wait_dma2 semaphore(%arg15 : memref<!tpu.dma_semaphore, #tpu.memory_space<semaphore_mem>>) src(%dma_wait3A_372 : memref<512xi32, #tpu.memory_space<vmem>>) dst(%dma_wait3A_370 : memref<512xi32, #tpu.memory_space<hbm>>)
    %dma_wait3A_373 = arith.constant 512 : i32
    %dma_wait3A_374 = tpu.memref_slice %arg13[%dma_wait3A_373] : memref<688xi32, #tpu.memory_space<vmem>> -> memref<128xi32, #tpu.memory_space<vmem>>
    %dma_wait3A_375 = tpu.memref_slice %arg7[%multiple_of3A_255] : memref<21824xi32, #tpu.memory_space<hbm>> -> memref<128xi32, #tpu.memory_space<hbm>>
    %dma_wait3A_376 = tpu.memref_slice %arg7[%multiple_of3A_255] : memref<21824xi32, #tpu.memory_space<hbm>> -> memref<128xi32, #tpu.memory_space<hbm>>
    %dma_wait3A_377 = arith.constant 512 : i32
    %dma_wait3A_378 = tpu.memref_slice %arg13[%dma_wait3A_377] : memref<688xi32, #tpu.memory_space<vmem>> -> memref<128xi32, #tpu.memory_space<vmem>>
    tpu.wait_dma2 semaphore(%arg16 : memref<!tpu.dma_semaphore, #tpu.memory_space<semaphore_mem>>) src(%dma_wait3A_378 : memref<128xi32, #tpu.memory_space<vmem>>) dst(%dma_wait3A_376 : memref<128xi32, #tpu.memory_space<hbm>>)
    %dma_wait3A_379 = arith.constant 640 : i32
    %dma_wait3A_380 = tpu.memref_slice %arg13[%dma_wait3A_379] : memref<688xi32, #tpu.memory_space<vmem>> -> memref<32xi32, #tpu.memory_space<vmem>>
    %dma_wait3A_381 = tpu.memref_slice %arg7[%multiple_of3A_357] : memref<21824xi32, #tpu.memory_space<hbm>> -> memref<32xi32, #tpu.memory_space<hbm>>
    %dma_wait3A_382 = tpu.memref_slice %arg7[%multiple_of3A_357] : memref<21824xi32, #tpu.memory_space<hbm>> -> memref<32xi32, #tpu.memory_space<hbm>>
    %dma_wait3A_383 = arith.constant 640 : i32
    %dma_wait3A_384 = tpu.memref_slice %arg13[%dma_wait3A_383] : memref<688xi32, #tpu.memory_space<vmem>> -> memref<32xi32, #tpu.memory_space<vmem>>
    tpu.wait_dma2 semaphore(%arg17 : memref<!tpu.dma_semaphore, #tpu.memory_space<semaphore_mem>>) src(%dma_wait3A_384 : memref<32xi32, #tpu.memory_space<vmem>>) dst(%dma_wait3A_382 : memref<32xi32, #tpu.memory_space<hbm>>)
    return
  }
}

</mosaic_0001>

<sc_bundles>
// kernel: kernel.3.cloned.1.call-start
scs
__scs_entry_jumppad:
0x0: {  	(pc) =	sbr.rel $0x88, $3  }
0x1: {  	(tag) =	ssettag $0x0;
	lr =	simm.s32 $0x1  }
0x2: {  	[smem:$0x3F9F] =	sst lr;
	_ =	strace $0xD0000000  }
0x3: {  	_ = 	snop  }
0x4: {  	_ = 	snop  }
0x5: {  	_ = 	snop  }
0x6: {  	_ = 	snop  }
0x7: {  	_ = 	snop  }
__scs_overlays_trampoline_lowered:
0x8: {  	[smem:$0x3FAE] =	sst s0  }
0x9: {  	[smem:$0x3FAF] =	sst s1  }
0xa: {  	[smem:$0x3FB0] =	sst s2  }
0xb: {  	[smem:$0x3FB1] =	sst s3  }
0xc: {  	[smem:$0x3FB2] =	sst s4  }
0xd: {  	[smem:$0x3FB3] =	sst s5  }
0xe: {  	[smem:$0x3FB4] =	sst s6  }
0xf: {  	[smem:$0x3FB5] =	sst s7  }
0x10: {  	[smem:$0x3FB6] =	sst s8  }
0x11: {  	[smem:$0x3FB7] =	sst s9;
	s0 =	simm.s32 @!p0 $0x0  }
0x12: {  	s1 =	sld [smem:$0x3F9D];
	s0 =	simm.s32 @p0 $0x1  }
0x13: {  	[smem:$0x3FB8] =	sst s0;
	s0 =	simm.s32 @!p1 $0x0  }
0x14: {  	s2 =	sld [smem:$0x3F9C];
	s0 =	simm.s32 @p1 $0x1  }
0x15: {  	[smem:$0x3FB9] =	sst s0;
	s0 =	simm.s32 @!p2 $0x0  }
0x16: {  	s3 =	sld [smem:$0x3FDB];
	s0 =	simm.s32 @p2 $0x1  }
0x17: {  	s4 =	simm.s32 $0x1BF5;
	[smem:$0x3FBB] =	sst s0  }
0x18: {  	s0 =	sld [smem:$0x3F9E];
	_ =	swait.ge [sflag:s4], $0x0  }
0x19: {  	s7 =	sld [smem:$0x3F9F]  }
0x1a: {  	s8 =	sadd.s32 $0xFFFFE003, lr  }
0x1b: {  	s9 =	sadd.s32 $0xFFFFFEF7, lr;
	s5 =	simm.s32 $0xFFFFFFFF;
	p2 =	slt.u32 s8, $0xFFFFF086  }
0x1c: {  	p1 =	slt.u32 s9, $0xF7A;
	s5 =	simm.s32 @!p2 $0x0  }
0x1d: {  	s5 =	simm.s32 @p1 $0x1;
	p0 =	seq.s32 s7, s2  }
0x1e: {  	s7 =	smul.u32 @!p0 $0xF7A, s2;
	p2 =	seq.s32 @!p0 s5, $0x0  }
0x1f: {  	s9 =	smul.u32 $0xF7A, s1;
	s8 =	simm.s32 @!p0 $0x1BF5;
	p2 =	por !p2, p0  }
0x20: {  	[sflag:s8] =	ssyncset.s32 @!p0 $0xFFFFF086;
	s6 =	sadd.s32 @!p0 s3, s7;
	s7 =	simm.s32 @!p0 $0x108  }
0x21: {  	s3 =	sadd.s32 s3, s9;
	s6 =	sadd.s32 @!p0 $0x88, s6;
	s7 =	simm.s32 @p2 $0x1082  }
0x22: {  	[simem:s7], [sflag:s8] =	dma.local @!p0 [hbm:s6], $0xF7A  }
0x23: {  	s9 =	sor.u32 $0xD0000000, s2;
	s6 =	simm.s32 $0x108;
	_ =	swait.ge @!p0 [sflag:s8], $0x0  }
0x24: {  	s3 =	sadd.s32 $0x88, s3;
	s6 =	simm.s32 @!p1 $0x1082;
	[sflag:s4] =	ssyncset.s32 $0xFFFFF086  }
0x25: {  	[simem:s6], [sflag:s4] =	dma.local [hbm:s3], $0xF7A  }
0x26: {  	[smem:$0x3F9F] =	sst s1;
	(tag) =	ssettag s2;
	_ =	strace s9  }
0x27: {  	s1 =	sld [smem:$0x3FAF]  }
0x28: {  	s2 =	sld [smem:$0x3FB0]  }
0x29: {  	s4 =	sld [smem:$0x3FB2]  }
0x2a: {  	p0 =	seq.s32 s5, $0x0;
	s5 =	sld [smem:$0x3FB3]  }
0x2b: {  	s6 =	sld [smem:$0x3FB4]  }
0x2c: {  	s7 =	sld [smem:$0x3FB5]  }
0x2d: {  	s3 =	simm.s32 $0x108;
	s8 =	sld [smem:$0x3FB6]  }
0x2e: {  	s3 =	simm.s32 @!p0 $0x1082;
	s9 =	sld [smem:$0x3FB7]  }
0x2f: {  	lr =	sadd.s32 s0, s3;
	s0 =	sld [smem:$0x3FAE]  }
0x30: {  	s3 =	sld [smem:$0x3FB1]  }
0x31: {  	[smem:$0x3FBA] =	sst s10  }
0x32: {  	s10 =	sld [smem:$0x3FB8];
	_ =	sdelay $0x3  }
0x33: {  	p0 =	seq.s32 s10, $0x1;
	s10 =	sld [smem:$0x3FBA];
	_ =	sdelay $0x3  }
0x34: {  	[smem:$0x3FBA] =	sst s10  }
0x35: {  	s10 =	sld [smem:$0x3FB9];
	_ =	sdelay $0x3  }
0x36: {  	p1 =	seq.s32 s10, $0x1;
	s10 =	sld [smem:$0x3FBA];
	_ =	sdelay $0x3  }
0x37: {  	[smem:$0x3FBA] =	sst s10  }
0x38: {  	s10 =	sld [smem:$0x3FBB]  }
0x39: {  	_ = 	snop;
	(pc) =	sbr.ind lr, $3  }
0x3a: {  	_ = 	snop  }
0x3b: {  	_ = 	snop  }
0x3c: {  	p2 =	seq.s32 s10, $0x1;
	s10 =	sld [smem:$0x3FBA]  }
0x3d: {  	_ =	shalt  }
0x3e: {  	_ =	shalt  }
0x3f: {  	_ =	shalt  }
0x40: {  	_ =	shalt  }
0x41: {  	_ =	shalt  }
0x42: {  	_ =	shalt  }
0x43: {  	_ =	shalt  }
0x44: {  	_ =	shalt  }
0x45: {  	_ =	shalt  }
0x46: {  	_ =	shalt  }
0x47: {  	_ =	shalt  }
0x48: {  	_ =	shalt  }
0x49: {  	_ =	shalt  }
0x4a: {  	_ =	shalt  }
0x4b: {  	_ =	shalt  }
0x4c: {  	_ =	shalt  }
0x4d: {  	_ =	shalt  }
0x4e: {  	_ =	shalt  }
0x4f: {  	_ =	shalt  }
0x50: {  	_ =	shalt  }
0x51: {  	_ =	shalt  }
0x52: {  	_ =	shalt  }
0x53: {  	_ =	shalt  }
0x54: {  	_ =	shalt  }
0x55: {  	_ =	shalt  }
0x56: {  	_ =	shalt  }
0x57: {  	_ =	shalt  }
0x58: {  	_ =	shalt  }
0x59: {  	_ =	shalt  }
0x5a: {  	_ =	shalt  }
0x5b: {  	_ =	shalt  }
0x5c: {  	_ =	shalt  }
0x5d: {  	_ =	shalt  }
0x5e: {  	_ =	shalt  }
0x5f: {  	_ =	shalt  }
0x60: {  	_ =	shalt  }
0x61: {  	_ =	shalt  }
0x62: {  	_ =	shalt  }
0x63: {  	_ =	shalt  }
0x64: {  	_ =	shalt  }
0x65: {  	_ =	shalt  }
0x66: {  	_ =	shalt  }
0x67: {  	_ =	shalt  }
0x68: {  	_ =	shalt  }
0x69: {  	_ =	shalt  }
0x6a: {  	_ =	shalt  }
0x6b: {  	_ =	shalt  }
0x6c: {  	_ =	shalt  }
0x6d: {  	_ =	shalt  }
0x6e: {  	_ =	shalt  }
0x6f: {  	_ =	shalt  }
0x70: {  	_ =	shalt  }
0x71: {  	_ =	shalt  }
0x72: {  	_ =	shalt  }
0x73: {  	_ =	shalt  }
0x74: {  	_ =	shalt  }
0x75: {  	_ =	shalt  }
0x76: {  	_ =	shalt  }
0x77: {  	_ =	shalt  }
0x78: {  	_ =	shalt  }
0x79: {  	_ =	shalt  }
0x7a: {  	_ =	shalt  }
0x7b: {  	_ =	shalt  }
0x7c: {  	_ =	shalt  }
0x7d: {  	_ =	shalt  }
0x7e: {  	_ =	shalt  }
0x7f: {  	_ =	shalt  }
0x80: {  	_ =	shalt  }
0x81: {  	_ =	shalt  }
0x82: {  	_ =	shalt  }
0x83: {  	_ =	shalt  }
0x84: {  	_ =	shalt  }
0x85: {  	_ =	shalt  }
0x86: {  	_ =	shalt  }
0x87: {  	_ =	shalt  }
.Lfunc_end0:
.L_simem_size_0:
called_computation_lowered:
.L_overlay_start_0:
0x88: {  	s2 =	sld [smem:$0x3FD9]  }
0x89: {  	s3 =	sld [smem:$0x3FFE];
	_ =	sdelay $0x1  }
0x8a: {  	s1 =	srdreg.scid  }
0x8b: {  	s0 =	sand.u32 $0x1, s1  }
0x8c: {  	s17 =	sshll.u32 s0, $0xA;
	s2 =	sadd.s32 s3, s2  }
0x8d: {  	s2 =	sadd.s32 s2, s17  }
0x8e: {  	[smem:$0x3FC6] =	sst s2  }
0x8f: {  	_ = 	snop  }
0x90: {  	s2 =	sld [smem:$0x3FD0];
	(tm) =	ssettm $0x1  }
0x91: {  	s18 =	sld [smem:$0x3FFB];
	_ =	sdelay $0x3  }
0x92: {  	_ =	strace s18  }
0x93: {  	s3 =	sld [smem:$0x3FFC];
	_ =	sdelay $0x3  }
0x94: {  	_ =	strace s3  }
0x95: {  	s3 =	sld [smem:$0x3FFD];
	_ =	sdelay $0x3  }
0x96: {  	_ =	strace s3  }
0x97: {  	_ =	strace $0x8FFFFFFF  }
0x98: {  	s19 =	sld [smem:$0x3FDB];
	_ =	sdelay $0x1  }
0x99: {  	s4 =	simm.s32 $_scs_section_size  }
0x9a: {  	s5 =	simm.s32 $_size__tile_overlayer_lowered;
	s6 =	simm.s32 $_tile_overlayer_lowered  }
0x9b: {  	s22 =	simm.s32 $0x1BFF;
	s21 =	sshll.u32 s6, $0x1;
	s3 =	sadd.s32 s4, s19  }
0x9c: {  	s7 =	simm.s32 $0x0;
	s20 =	sshll.u32 s5, $0x1;
	s5 =	sadd.s32 s21, s3  }
0x9d: {  	[timem:s7], [sflag:s22] =	dma.local [hbm:s5], s20  }
0x9e: {  	_ =	swait.ge [sflag:s22], s20  }
0x9f: {  	s4 =	ssub.s32 $0x0, s20;
	[sflag:s22] =	ssyncset.done $0x0  }
0xa0: {  	[sflag:s22] =	ssyncadd.s32 s4;
	_ =	sdelay $0x1  }
0xa1: {  	s23 =	simm.s32 $0x1B8B  }
0xa2: {  	_ =	swait.ge [sflag:s23], $0x1  }
0xa3: {  	[sflag:s23] =	ssyncset.done $0x0  }
0xa4: {  	s25 =	simm.s32 $0x1B8E;
	s24 =	sld [smem:$0x3FFE];
	[sflag:s23] =	ssyncadd.s32 $0xFFFFFFFF  }
0xa5: {  	s26 =	simm.s32 $execute0_lowered;
	[smem:$0x3FD2] =	sst s25  }
0xa6: {  	s5 =	sshll.u32 s26, $0x1;
	_ =	strace $0x80000046;
	[dreg:$0x1] =	wrdreg $0xFFFFFFFF  }
0xa7: {  	s28 =	simm.s32 $_size_execute0_lowered;
	s3 =	sadd.s32 s3, s5;
	[dreg:$0x0] =	wrdreg $0x0  }
0xa8: {  	s5 =	sshll.u32 s28, $0x1;
	[dreg:$0x2] =	wrdreg s3  }
0xa9: {  	[dreg:$0x3] =	wrdreg s5  }
0xaa: {  	[dreg:$0x4] =	wrdreg $0xC0  }
0xab: {  	_ =	task [dreg:s7], $0x5FFFF  }
0xac: {  	[dreg:$0x1] =	wrdreg $0xFFFFFFFF  }
0xad: {  	[dreg:$0x0] =	wrdreg $0x60  }
0xae: {  	[dreg:$0x2] =	wrdreg s24  }
0xaf: {  	[dreg:$0x3] =	wrdreg s2  }
0xb0: {  	[dreg:$0x4] =	wrdreg $0x9  }
0xb1: {  	_ =	task.clear_ibuf [dreg:s7], $0x5FFFF;
	_ =	strace $0x90000046  }
0xb2: {  	s29 =	simm.s32 $0x9;
	_ =	strace $0x80000048  }
0xb3: {  	_ =	swait.ge [sflag:s29], $0x1  }
0xb4: {  	[sflag:s29] =	ssyncadd.s32 $0xFFFFFFFF  }
0xb5: {  	_ =	strace $0x90000048  }
0xb6: {  	_ =	sfence  }
0xb7: {  	s30 =	sld [smem:$0x0];
	_ =	sdelay $0x2  }
0xb8: {  	s31 =	sshll.u32 s1, $0xD;
	s1 =	sshrl.u32 s1, $0x2  }
0xb9: {  	s3 =	sand.u32 $0x4000, s31;
	s1 =	sadd.s32 s1, s30  }
0xba: {  	s0 =	sor.u32 s3, s0;
	s1 =	sshll.u32 s1, $0x11  }
0xbb: {  	s0 =	sor.u32 s1, s0  }
0xbc: {  	s0 =	sadd.s32 $0x8F2B, s0  }
0xbd: {  	[sflag:s0] =	ssyncadd.remote.s32 $0x1  }
0xbe: {  	_ =	sfence.sel $0xFFFF  }
0xbf: {  	[dreg:$0x0] =	wrdreg $0xFFFFFFFF;
	(pc) =	sbr.abs _section_cstart, $3  }
0xc0: {  	[dreg:$0x1] =	wrdreg $0xFFFFFFFF  }
0xc1: {  	_ =	task.clear_ibuf [dreg:s7], $0x2FFFF;
	_ =	strace $0x9FFFFFFF  }
0xc2: {  	(tm) =	ssettm $0x7FFFFFFF  }
0xc3: {  	_ =	shalt  }
tec
execute0_lowered:
.L_overlay_start_1:
0x0: {  	(tag) =	ssettag $0x1  }
0x1: {  	s9 =	rddreg [dreg:$0x0]  }
0x2: {  	s0 =	rddreg [dreg:$0x1];
	s3 =	simm.s32 $0x0;
	s1 =	srdreg.scid  }
0x3: {  	s12 =	stileid.u32;
	s28 =	simm.s32 $0x1780;
	s29 =	simm.s32 $0x2  }
0x4: {  	s30 =	simm.s32 $0x3;
	s31 =	simm.s32 $0x4;
	[smem:$0x7FF] =	sst s3  }
0x5: {  	s2 =	sadd.s32 $0x2600, s9;
	s1 =	sand.u32 $0x1, s1;
	s4 =	sadd.s32 $0x1A00, s9  }
0x6: {  	s6 =	sshll.u32 s12, $0x1;
	s7 =	sadd.s32 $0xE00, s9;
	s14 =	sadd.s32 $0x200, s9  }
0x7: {  	p0 =	slt.u32 s12, $0x8;
	s5 =	ssub.s32 $0x2, s1;
	s1 =	sor.u32 s1, s6  }
0x8: {  	p1 =	sgt.u32 s12, $0x9;
	p2 =	slt.u32 s12, $0xA;
	s15 =	sshll.u32 s1, $0x6  }
0x9: {  	s8 =	sshrl.u32 s5, $0x1;
	s18 =	sshll.u32 s1, $0x4;
	s16 =	sadd.s32 s2, s15  }
0xa: {  	s22 =	sshll.u32 s1, $0x2;
	s17 =	sadd.s32 s4, s15;
	[dreg:$0x3] =	wrdreg s16  }
0xb: {  	s1 =	sshll.u32 s1, $0x1;
	s10 =	sadd.s32 s7, s15;
	[dreg:$0x4] =	wrdreg s17  }
0xc: {  	s19 =	sadd.s32 s14, s15;
	s9 =	sor.u32 $0x800, s18;
	[dreg:$0x5] =	wrdreg s10  }
0xd: {  	s5 =	ssub.s32 s5, s8;
	[dreg:$0x6] =	wrdreg s19;
	s20 =	sadd.s32 s2, s9  }
0xe: {  	s25 =	sor.u32 $0xA80, s1;
	s21 =	sadd.s32 s4, s9;
	[dreg:$0x7] =	wrdreg s20  }
0xf: {  	s11 =	sadd.s32 s7, s9;
	s10 =	sor.u32 $0xA00, s22;
	[dreg:$0x8] =	wrdreg s21  }
0x10: {  	s23 =	sadd.s32 s14, s9;
	s16 =	sadd.s32 s4, s25;
	[dreg:$0x9] =	wrdreg s11  }
0x11: {  	s17 =	sadd.s32 s7, s25;
	s18 =	sadd.s32 s14, s25;
	[dreg:$0xa] =	wrdreg s23  }
0x12: {  	s24 =	sadd.s32 s2, s10;
	s13 =	sadd.s32 s4, s10;
	s26 =	sadd.s32 s7, s10  }
0x13: {  	s2 =	sadd.s32 s2, s25;
	s19 =	sadd.s32 s14, s10;
	s20 =	sadd.s32 s0, s15  }
0x14: {  	s21 =	sadd.s32 s0, s9;
	s22 =	sadd.s32 s0, s10;
	[dreg:$0xb] =	wrdreg s24  }
.Ltmp0:
0x15: {  	v0 =	vimm.f32 $0.0e+00;
	s23 =	simm.s32 $0x2A0;
	[dreg:$0xc] =	wrdreg s13;
	(pc) =	sbr.rel .LBB2_1-.Ltmp0, $4  }
0x16: {  	v1 =	vlaneseq.u32;
	v3 =	vimm.f32 $2.000000000e+09;
	v4 =	vimm.s32 $0xFFFFFFFE;
	s0 =	sadd.s32 s1, s0;
	s25 =	smax.u32 s5, $0x1;
	[dreg:$0xd] =	wrdreg s26  }
0x17: {  	v5 =	vor.u32 $0x280, v1;
	v6 =	vor.u32 $0x530, v1;
	v7 =	vor.u32 $0x7E0, v1;
	s1 =	simm.s32 $0x1C00;
	s4 =	simm.s32 $0x0;
	[dreg:$0xe] =	wrdreg s2  }
0x18: {  	v8 =	vor.u32 $0xA90, v1;
	v9 =	vor.u32 $0x290, v1;
	v10 =	vor.u32 $0x540, v1;
	s23 =	simm.s32 @!p0 $0x380;
	s24 =	sadd.s32 $0xA80, s0;
	s0 =	simm.s32 $0x1  }
0x19: {  	v2 =	vimm.s32 $0x0;
	v11 =	vor.u32 $0x7F0, v1;
	v12 =	vor.u32 $0xAA0, v1;
	s2 =	simm.s32 $0xE80;
	s26 =	simm.s32 $0x1300;
	_ =	strace $0x80000047  }
.LBB2_22:
0x1a: {  	_ =	sdelay $0x3  }
0x1b: {  	[tilespmem:v13+s1+$0x0] =	vst.idx.msk $0xffff, v14;
	s5 =	simm.s32 $0x1E80  }
0x1c: {  	[hbm4b:s22+s3] =	stream.linear.scatter [tilespmem:s5], [sflag:$0x4], $0x20, $0x38;
	[tilespmem:$0x1F00] =	vst v63  }
0x1d: {  	s6 =	simm.s32 @p2 $0x1EA0;
	s5 =	simm.s32 @p2 $0x0  }
0x1e: {  	[hbm4b:s24+s5] =	stream.linear.scatter @p2 [tilespmem:s6], [sflag:$0x5], $0x10, $0x38;
	[tilespmem:$0x1F00] =	vst v63  }
0x1f: {  	s5 =	simm.s32 @p2 $0x5  }
0x20: {  	_ =	swait.ge @p2 [sflag:s5], $0x10  }
0x21: {  	[sflag:s5] =	ssyncset.done @p2 $0x0  }
0x22: {  	[sflag:s5] =	ssyncadd.s32 @p2 $0xFFFFFFF0  }
0x23: {  	_ =	swait.ge [sflag:s29], $0x200  }
0x24: {  	[sflag:s29] =	ssyncset.done $0x0  }
0x25: {  	s4 =	sadd.s32 $0x1, s4;
	[sflag:s29] =	ssyncadd.s32 $0xFFFFFE00  }
0x26: {  	p3 =	sne.s32 s4, s25;
	_ =	swait.ge [sflag:s30], $0x80  }
.Ltmp1:
0x27: {  	[sflag:s30] =	ssyncset.done $0x0;
	(pc) =	sbr.rel @!p3 .LBB2_23-.Ltmp1, $4  }
0x28: {  	[sflag:s30] =	ssyncadd.s32 $0xFFFFFF80  }
0x29: {  	_ =	swait.ge [sflag:s31], $0x20  }
0x2a: {  	[sflag:s31] =	ssyncset.done $0x0  }
0x2b: {  	[sflag:s31] =	ssyncadd.s32 $0xFFFFFFE0  }
.LBB2_1:
0x2c: {  	s5 =	rddreg [dreg:$0x0];
	s6 =	simm.s32 $0xB00  }
0x2d: {  	[tilespmem:s6], [sflag:$0x1] =	stream.linear.gather [hbm4b:s5+s3], $0x380, $0x38;
	[tilespmem:$0x1F00] =	vst v63  }
0x2e: {  	s13 =	rddreg [dreg:$0x3]  }
0x2f: {  	[tilespmem:s3], [sflag:$0x2] =	stream.linear.gather [hbm4b:s13+s3], $0x200, $0x38;
	[tilespmem:$0x1F00] =	vst v63  }
0x30: {  	s14 =	rddreg [dreg:$0x4];
	s15 =	simm.s32 $0x2B0  }
0x31: {  	[tilespmem:s15], [sflag:$0x2] =	stream.linear.gather [hbm4b:s14+s3], $0x200, $0x38;
	[tilespmem:$0x1F00] =	vst v63  }
0x32: {  	s7 =	simm.s32 $0x560;
	s6 =	rddreg [dreg:$0x5]  }
0x33: {  	[tilespmem:s7], [sflag:$0x2] =	stream.linear.gather [hbm4b:s6+s3], $0x200, $0x38;
	[tilespmem:$0x1F00] =	vst v63  }
0x34: {  	s8 =	rddreg [dreg:$0x6];
	s9 =	simm.s32 $0x810  }
0x35: {  	[tilespmem:s9], [sflag:$0x2] =	stream.linear.gather [hbm4b:s8+s3], $0x200, $0x38;
	[tilespmem:$0x1F00] =	vst v63  }
0x36: {  	s10 =	rddreg [dreg:$0x7];
	s11 =	simm.s32 $0x200  }
0x37: {  	[tilespmem:s11], [sflag:$0x3] =	stream.linear.gather [hbm4b:s10+s3], $0x80, $0x38;
	[tilespmem:$0x1F00] =	vst v63  }
0x38: {  	s12 =	rddreg [dreg:$0x8];
	s13 =	simm.s32 $0x4B0  }
0x39: {  	[tilespmem:s13], [sflag:$0x3] =	stream.linear.gather [hbm4b:s12+s3], $0x80, $0x38;
	[tilespmem:$0x1F00] =	vst v63  }
0x3a: {  	s14 =	rddreg [dreg:$0x9];
	s15 =	simm.s32 $0x760  }
0x3b: {  	[tilespmem:s15], [sflag:$0x3] =	stream.linear.gather [hbm4b:s14+s3], $0x80, $0x38;
	[tilespmem:$0x1F00] =	vst v63  }
0x3c: {  	s7 =	rddreg [dreg:$0xa];
	s8 =	simm.s32 $0xA10  }
0x3d: {  	[tilespmem:s8], [sflag:$0x3] =	stream.linear.gather [hbm4b:s7+s3], $0x80, $0x38;
	[tilespmem:$0x1F00] =	vst v63  }
0x3e: {  	s9 =	rddreg [dreg:$0xb];
	s10 =	simm.s32 $0x280  }
0x3f: {  	[tilespmem:s10], [sflag:$0x4] =	stream.linear.gather [hbm4b:s9+s3], $0x20, $0x38;
	[tilespmem:$0x1F00] =	vst v63  }
0x40: {  	s11 =	rddreg [dreg:$0xc];
	s12 =	simm.s32 $0x530  }
0x41: {  	[tilespmem:s12], [sflag:$0x4] =	stream.linear.gather [hbm4b:s11+s3], $0x20, $0x38;
	[tilespmem:$0x1F00] =	vst v63  }
0x42: {  	s13 =	rddreg [dreg:$0xd];
	s14 =	simm.s32 $0x7E0  }
0x43: {  	[tilespmem:s14], [sflag:$0x4] =	stream.linear.gather [hbm4b:s13+s3], $0x20, $0x38;
	[tilespmem:$0x1F00] =	vst v63  }
0x44: {  	s15 =	simm.s32 $0xA90  }
0x45: {  	[tilespmem:s15], [sflag:$0x4] =	stream.linear.gather [hbm4b:s19+s3], $0x20, $0x38;
	[tilespmem:$0x1F00] =	vst v63  }
0x46: {  	s5 =	simm.s32 @!p1 $0x0;
	s6 =	simm.s32 @!p1 $0x2A0;
	s7 =	rddreg [dreg:$0xe]  }
0x47: {  	[tilespmem:s6], [sflag:$0x5] =	stream.linear.gather @!p1 [hbm4b:s7+s5], $0x10, $0x38;
	[tilespmem:$0x1F00] =	vst v63  }
0x48: {  	s6 =	simm.s32 @!p1 $0x550  }
0x49: {  	[tilespmem:s6], [sflag:$0x5] =	stream.linear.gather @!p1 [hbm4b:s16+s5], $0x10, $0x38;
	[tilespmem:$0x1F00] =	vst v63  }
0x4a: {  	s6 =	simm.s32 @!p1 $0x800  }
0x4b: {  	[tilespmem:s6], [sflag:$0x5] =	stream.linear.gather @!p1 [hbm4b:s17+s5], $0x10, $0x38;
	[tilespmem:$0x1F00] =	vst v63  }
0x4c: {  	s6 =	simm.s32 @!p1 $0xAB0  }
0x4d: {  	[tilespmem:s6], [sflag:$0x5] =	stream.linear.gather @!p1 [hbm4b:s18+s5], $0x10, $0x38;
	[tilespmem:$0x1F00] =	vst v63  }
0x4e: {  	s5 =	simm.s32 @!p1 $0x5  }
0x4f: {  	_ =	swait.ge @!p1 [sflag:s5], $0x10  }
0x50: {  	[sflag:s5] =	ssyncset.done @!p1 $0x0  }
0x51: {  	[sflag:s5] =	ssyncadd.s32 @!p1 $0xFFFFFFF0  }
0x52: {  	_ =	swait.ge @!p1 [sflag:s5], $0x10  }
0x53: {  	[sflag:s5] =	ssyncset.done @!p1 $0x0  }
0x54: {  	[sflag:s5] =	ssyncadd.s32 @!p1 $0xFFFFFFF0  }
0x55: {  	_ =	swait.ge @!p1 [sflag:s5], $0x10  }
0x56: {  	[sflag:s5] =	ssyncset.done @!p1 $0x0  }
0x57: {  	[sflag:s5] =	ssyncadd.s32 @!p1 $0xFFFFFFF0  }
0x58: {  	_ =	swait.ge @!p1 [sflag:s5], $0x10  }
0x59: {  	[sflag:s5] =	ssyncset.done @!p1 $0x0  }
0x5a: {  	[sflag:s5] =	ssyncadd.s32 @!p1 $0xFFFFFFF0  }
0x5b: {  	_ =	swait.ge [sflag:s0], $0x380  }
0x5c: {  	[sflag:s0] =	ssyncset.done $0x0  }
0x5d: {  	s5 =	simm.s32 $0xCA0;
	[sflag:s0] =	ssyncadd.s32 $0xFFFFFC80  }
0x5e: {  	v14 =	vld [tilespmem:s5+$0x0]  }
0x5f: {  	v15 =	vld [tilespmem:s5+$0xFFFFFE60]  }
0x60: {  	v16 =	vld [tilespmem:s5+$0xD0]  }
0x61: {  	v17 =	vld [tilespmem:s5+$0xFFFFFF30];
	_ =	sdelay $0x4  }
0x62: {  	v13 =	vsub.f32 v14, v15;
	v18 =	vsub.f32 v16, v17;
	_ =	sdelay $0x1  }
0x63: {  	v13 =	vmul.f32 v18, v13;
	_ =	sdelay $0x1  }
0x64: {  	vm0 =	vge.f32 v13, $1.024000000e+03;
	vm1 =	vge.f32 v13, $4.096000000e+03  }
0x65: {  	v18 =	vsel vm0, $0x3F800000, v0;
	v19 =	vsel vm1, $0x3F800000, v0  }
0x66: {  	vm0 =	vge.f32 v13, $1.638400000e+04;
	v18 =	vadd.f32 v19, v18  }
0x67: {  	v19 =	vsel vm0, $0x3F800000, v0  }
0x68: {  	vm0 =	vge.f32 v13, $6.553600000e+04;
	v18 =	vadd.f32 v18, v19  }
0x69: {  	v19 =	vsel vm0, $0x3F800000, v0  }
0x6a: {  	v18 =	vadd.f32 v18, v19  }
0x6b: {  	vm0 =	vge.f32 v13, $2.621440000e+05  }
0x6c: {  	v13 =	vor.u32 s3, v1;
	v18 =	vsel vm0, $0x0, v18  }
0x6d: {  	vm0 =	vlt.u32 v13, $0xC8;
	vm1 =	veq.f32 v18, $0.0e+00  }
0x6e: {  	vm1 =	vmand vm0, vm1  }
0x6f: {  	v19 =	vsel vm1, $0x1, v2  }
0x70: {  	vm2 =	veq.f32 v18, $1.000000000e+00;
	(xrf0) =	vadd.scan.msk.s32 $0xffff, v19  }
0x71: {  	vm2 =	vmand vm0, vm2  }
0x72: {  	v19 =	vsel vm2, $0x1, v2  }
0x73: {  	vm3 =	veq.f32 v18, $2.000000000e+00;
	(xrf0) =	vadd.scan.msk.s32 $0xffff, v19  }
0x74: {  	vm3 =	vmand vm0, vm3  }
0x75: {  	v19 =	vsel vm3, $0x1, v2  }
0x76: {  	vm4 =	veq.f32 v18, $3.000000000e+00;
	v20, _, _ =	vpop (xrf0);
	(xrf0) =	vadd.scan.msk.s32 $0xffff, v19  }
0x77: {  	vm4 =	vmand vm0, vm4;
	v19 =	vadd.s32 v20, v2  }
0x78: {  	v16 =	vadd.f32 v16, v17;
	v20 =	vsel vm4, $0x1, v2;
	v19 =	vadd.s32 $0xFFFFFFFF, v19  }
0x79: {  	v14 =	vadd.f32 v14, v15;
	vm5 =	veq.f32 v18, $4.000000000e+00;
	v15, _, _ =	vpop (xrf0);
	(xrf0) =	vadd.scan.msk.s32 $0xffff, v20  }
0x7a: {  	vm0 =	vmand vm0, vm5;
	v15 =	vadd.s32 v15, v2  }
0x7b: {  	v18 =	vmul.f32 $5.000000000e-01, v14;
	v14 =	vadd.s32 $0xDF, v15;
	v15 =	vsel vm0, $0x1, v2  }
0x7c: {  	v20 =	vmul.f32 $5.000000000e-01, v16;
	v16, _, _ =	vpop (xrf0);
	(xrf0) =	vadd.scan.msk.s32 $0xffff, v15  }
0x7d: {  	[tilespmem:v19+s2+$0x0] =	vst.idx.msk vm1, v18;
	v15 =	vadd.s32 v16, v2  }
0x7e: {  	[tilespmem:v19+s26+$0x0] =	vst.idx.msk vm1, v20;
	v15 =	vadd.s32 $0x1BF, v15  }
0x7f: {  	v16, _, _ =	vpop (xrf0);
	[tilespmem:v19+s28+$0x0] =	vst.idx.msk vm1, v13  }
0x80: {  	v16 =	vadd.s32 v16, v2;
	[tilespmem:v14+s2+$0x0] =	vst.idx.msk vm2, v18  }
0x81: {  	v16 =	vadd.s32 $0x29F, v16;
	[tilespmem:v14+s26+$0x0] =	vst.idx.msk vm2, v20  }
0x82: {  	[tilespmem:v14+s28+$0x0] =	vst.idx.msk vm2, v13;
	v14, _, _ =	vpop (xrf0)  }
0x83: {  	[tilespmem:v15+s2+$0x0] =	vst.idx.msk vm3, v18;
	v14 =	vadd.s32 v14, v2  }
0x84: {  	[tilespmem:v15+s26+$0x0] =	vst.idx.msk vm3, v20;
	v19 =	vadd.s32 $0x37F, v14  }
0x85: {  	[tilespmem:v15+s28+$0x0] =	vst.idx.msk vm3, v13  }
0x86: {  	v14 =	vmpcnt.ones.xlane vm1;
	[tilespmem:v16+s2+$0x0] =	vst.idx.msk vm4, v18  }
0x87: {  	v21 =	vmpcnt.ones.xlane vm3;
	v15 =	vmpcnt.ones.xlane vm2;
	[tilespmem:v16+s26+$0x0] =	vst.idx.msk vm4, v20  }
0x88: {  	v22 =	vmpcnt.ones.xlane vm4;
	v23 =	vmpcnt.ones.xlane vm0;
	v14 =	vadd.s32 v2, v14;
	[tilespmem:v16+s28+$0x0] =	vst.idx.msk vm4, v13  }
0x89: {  	v17 =	vadd.s32 v2, v15;
	v15 =	vadd.s32 v2, v21;
	[tilespmem:v19+s2+$0x0] =	vst.idx.msk vm0, v18  }
0x8a: {  	s6 =	simm.s32 $0x10;
	v16 =	vadd.s32 v2, v23;
	v18 =	vadd.s32 v2, v22;
	[tilespmem:v19+s26+$0x0] =	vst.idx.msk vm0, v20  }
.LBB2_2:
0x8b: {  	p3 =	sne.s32 s6, $0xC0  }
0x8c: {  	[tilespmem:v19+s28+$0x0] =	vst.idx.msk vm0, v13;
	s5 =	sadd.s32 $0x10, s5;
	v19 =	vmovc v14;
	v20 =	vmovc v17;
	v21 =	vmov v15;
	v22 =	vmov v18;
	v23 =	vmov v16;
	s7 =	smov.u32 s6;
	s6 =	sadd.s32 $0x10, s6  }
0x8d: {  	v13 =	vld [tilespmem:s5+$0x0]  }
0x8e: {  	v24 =	vld [tilespmem:s5+$0xFFFFFE60]  }
0x8f: {  	v25 =	vld [tilespmem:s5+$0xD0]  }
0x90: {  	v26 =	vld [tilespmem:s5+$0xFFFFFF30];
	_ =	sdelay $0x2  }
0x91: {  	v27 =	vsub.f32 v13, v24;
	v24 =	vadd.f32 v13, v24;
	_ =	sdelay $0x1  }
0x92: {  	v13 =	vsub.f32 v25, v26;
	v25 =	vadd.f32 v25, v26;
	_ =	sdelay $0x1  }
0x93: {  	v13 =	vmul.f32 v13, v27;
	_ =	sdelay $0x1  }
0x94: {  	vm0 =	vge.f32 v13, $1.024000000e+03;
	vm1 =	vge.f32 v13, $4.096000000e+03;
	vm2 =	vge.f32 v13, $1.638400000e+04  }
0x95: {  	v26 =	vsel vm0, $0x3F800000, v0;
	v27 =	vsel vm1, $0x3F800000, v0;
	vm0 =	vge.f32 v13, $6.553600000e+04  }
0x96: {  	v26 =	vadd.f32 v27, v26  }
0x97: {  	v27 =	vsel vm2, $0x3F800000, v0  }
0x98: {  	v26 =	vadd.f32 v26, v27  }
0x99: {  	v27 =	vsel vm0, $0x3F800000, v0  }
0x9a: {  	v26 =	vadd.f32 v26, v27  }
0x9b: {  	vm0 =	vge.f32 v13, $2.621440000e+05  }
0x9c: {  	v13 =	vor.u32 s7, v1;
	v26 =	vsel vm0, $0x0, v26  }
0x9d: {  	vm0 =	vlt.u32 v13, $0xC8;
	vm1 =	veq.f32 v26, $0.0e+00;
	vm2 =	veq.f32 v26, $1.000000000e+00  }
0x9e: {  	vm4 =	veq.f32 v26, $3.000000000e+00;
	vm5 =	veq.f32 v26, $4.000000000e+00;
	vm1 =	vmand vm0, vm1  }
0x9f: {  	v27 =	vsel vm1, $0x1, v2;
	v28 =	vmpcnt.ones.xlane vm1  }
0xa0: {  	(xrf0) =	vadd.scan.msk.s32 $0xffff, v27  }
0xa1: {  	vm2 =	vmand vm0, vm2;
	v14 =	vadd.s32 v14, v28  }
0xa2: {  	v27 =	vsel vm2, $0x1, v2;
	v28 =	vmpcnt.ones.xlane vm2  }
0xa3: {  	vm3 =	veq.f32 v26, $2.000000000e+00;
	(xrf0) =	vadd.scan.msk.s32 $0xffff, v27  }
0xa4: {  	vm3 =	vmand vm0, vm3;
	v17 =	vadd.s32 v17, v28  }
0xa5: {  	v26 =	vsel vm3, $0x1, v2;
	v27 =	vmpcnt.ones.xlane vm3  }
0xa6: {  	v28, _, _ =	vpop (xrf0);
	(xrf0) =	vadd.scan.msk.s32 $0xffff, v26  }
0xa7: {  	vm4 =	vmand vm0, vm4;
	v15 =	vadd.s32 v15, v27;
	v19 =	vadd.s32 v28, v19  }
0xa8: {  	v27 =	vmpcnt.ones.xlane vm4;
	v26 =	vsel vm4, $0x1, v2;
	v19 =	vadd.s32 $0xFFFFFFFF, v19  }
0xa9: {  	v24 =	vmul.f32 $5.000000000e-01, v24;
	v28, _, _ =	vpop (xrf0);
	(xrf0) =	vadd.scan.msk.s32 $0xffff, v26  }
0xaa: {  	vm0 =	vmand vm0, vm5;
	v18 =	vadd.s32 v18, v27;
	v20 =	vadd.s32 v28, v20  }
0xab: {  	v27 =	vmpcnt.ones.xlane vm0;
	v26 =	vsel vm0, $0x1, v2;
	v20 =	vadd.s32 $0xDF, v20  }
0xac: {  	v25 =	vmul.f32 $5.000000000e-01, v25;
	v28, _, _ =	vpop (xrf0);
	(xrf0) =	vadd.scan.msk.s32 $0xffff, v26  }
0xad: {  	v16 =	vadd.s32 v16, v27;
	[tilespmem:v19+s2+$0x0] =	vst.idx.msk vm1, v24;
	v21 =	vadd.s32 v28, v21  }
0xae: {  	[tilespmem:v19+s26+$0x0] =	vst.idx.msk vm1, v25;
	v21 =	vadd.s32 $0x1BF, v21  }
0xaf: {  	[tilespmem:v19+s28+$0x0] =	vst.idx.msk vm1, v13;
	v19, _, _ =	vpop (xrf0)  }
0xb0: {  	[tilespmem:v20+s2+$0x0] =	vst.idx.msk vm2, v24;
	v26 =	vadd.s32 v19, v22  }
0xb1: {  	[tilespmem:v20+s26+$0x0] =	vst.idx.msk vm2, v25;
	v22 =	vadd.s32 $0x29F, v26  }
0xb2: {  	[tilespmem:v20+s28+$0x0] =	vst.idx.msk vm2, v13;
	v19, _, _ =	vpop (xrf0)  }
0xb3: {  	[tilespmem:v21+s2+$0x0] =	vst.idx.msk vm3, v24;
	v19 =	vadd.s32 v19, v23  }
0xb4: {  	[tilespmem:v21+s26+$0x0] =	vst.idx.msk vm3, v25;
	v19 =	vadd.s32 $0x37F, v19  }
0xb5: {  	[tilespmem:v21+s28+$0x0] =	vst.idx.msk vm3, v13  }
.Ltmp2:
0xb6: {  	[tilespmem:v22+s2+$0x0] =	vst.idx.msk vm4, v24;
	(pc) =	sbr.rel @p3 .LBB2_2-.Ltmp2, $4  }
0xb7: {  	[tilespmem:v22+s26+$0x0] =	vst.idx.msk vm4, v25  }
0xb8: {  	[tilespmem:v22+s28+$0x0] =	vst.idx.msk vm4, v13  }
0xb9: {  	[tilespmem:v19+s2+$0x0] =	vst.idx.msk vm0, v24  }
0xba: {  	[tilespmem:v19+s26+$0x0] =	vst.idx.msk vm0, v25  }
0xbb: {  	v14 =	vxor.u32 $0x80000000, v14  }
0xbc: {  	(xrf0) =	vmax.scan.msk.u32 $0xffff, v14;
	v14 =	vxor.u32 $0x80000000, v17  }
0xbd: {  	(xrf0) =	vmax.scan.msk.u32 $0xffff, v14;
	v14 =	vxor.u32 $0x80000000, v15  }
0xbe: {  	(xrf0) =	vmax.scan.msk.u32 $0xffff, v14;
	v14 =	vxor.u32 $0x80000000, v18  }
0xbf: {  	(xrf0) =	vmax.scan.msk.u32 $0xffff, v14;
	v14 =	vxor.u32 $0x80000000, v16  }
0xc0: {  	(xrf0) =	vmax.scan.msk.u32 $0xffff, v14;
	_ =	sdelay $0x1  }
0xc1: {  	v14, _, _ =	vpop (xrf0)  }
0xc2: {  	v15, _, _ =	vpop (xrf0);
	(v2sf) =	vpush v14, $0xF  }
0xc3: {  	v14, _, _ =	vpop (xrf0);
	(v2sf) =	vpush v15, $0xF  }
0xc4: {  	v15, _, _ =	vpop (xrf0);
	(v2sf) =	vpush v14, $0xF  }
0xc5: {  	(v2sf) =	vpush v15, $0xF;
	v14, _, _ =	vpop (xrf0)  }
0xc6: {  	(v2sf) =	vpush v14, $0xF;
	_ =	sdelay $0xa  }
0xc7: {  	s5 =	spop (v2sf)  }
0xc8: {  	s9 =	spop (v2sf);
	s8 =	sxor.u32 $0x80000000, s5  }
0xc9: {  	s7 =	spop (v2sf);
	v14 =	vadd.s32 s8, v1;
	s6 =	sadd.s32 $0x800000E0, s9  }
0xca: {  	s5 =	spop (v2sf);
	v15 =	vadd.s32 s6, v1;
	s10 =	sadd.s32 $0x800001C0, s7  }
0xcb: {  	s6 =	spop (v2sf);
	v62 =	vadd.s32 s10, v1;
	s14 =	sadd.s32 $0x800002A0, s5  }
0xcc: {  	v63 =	vadd.s32 s14, v1;
	s15 =	sadd.s32 $0x80000380, s6  }
0xcd: {  	[tilespmem:v19+s28+$0x0] =	vst.idx.msk vm0, v13;
	v13 =	vadd.s32 s15, v1  }
0xce: {  	[tilespmem:v14+s2+$0x0] =	vst.idx.msk $0xffff, v3  }
0xcf: {  	[tilespmem:v15+s2+$0x0] =	vst.idx.msk $0xffff, v3  }
0xd0: {  	[tilespmem:v62+s2+$0x0] =	vst.idx.msk $0xffff, v3  }
0xd1: {  	[tilespmem:v63+s2+$0x0] =	vst.idx.msk $0xffff, v3  }
0xd2: {  	[tilespmem:v13+s2+$0x0] =	vst.idx.msk $0xffff, v3  }
0xd3: {  	_ =	swait.ge [sflag:s29], $0x200  }
0xd4: {  	[sflag:s29] =	ssyncset.done $0x0  }
0xd5: {  	[sflag:s29] =	ssyncadd.s32 $0xFFFFFE00  }
0xd6: {  	_ =	swait.ge [sflag:s29], $0x200  }
0xd7: {  	[sflag:s29] =	ssyncset.done $0x0  }
0xd8: {  	[sflag:s29] =	ssyncadd.s32 $0xFFFFFE00  }
0xd9: {  	_ =	swait.ge [sflag:s29], $0x200  }
0xda: {  	[sflag:s29] =	ssyncset.done $0x0  }
0xdb: {  	[sflag:s29] =	ssyncadd.s32 $0xFFFFFE00  }
0xdc: {  	_ =	swait.ge [sflag:s29], $0x200  }
0xdd: {  	[sflag:s29] =	ssyncset.done $0x0  }
0xde: {  	[sflag:s29] =	ssyncadd.s32 $0xFFFFFE00  }
0xdf: {  	_ =	swait.ge [sflag:s30], $0x80  }
0xe0: {  	[sflag:s30] =	ssyncset.done $0x0  }
0xe1: {  	[sflag:s30] =	ssyncadd.s32 $0xFFFFFF80  }
0xe2: {  	_ =	swait.ge [sflag:s30], $0x80  }
0xe3: {  	[sflag:s30] =	ssyncset.done $0x0  }
0xe4: {  	[sflag:s30] =	ssyncadd.s32 $0xFFFFFF80  }
0xe5: {  	_ =	swait.ge [sflag:s30], $0x80  }
0xe6: {  	[sflag:s30] =	ssyncset.done $0x0  }
0xe7: {  	[sflag:s30] =	ssyncadd.s32 $0xFFFFFF80  }
0xe8: {  	_ =	swait.ge [sflag:s30], $0x80  }
0xe9: {  	[sflag:s30] =	ssyncset.done $0x0  }
0xea: {  	[sflag:s30] =	ssyncadd.s32 $0xFFFFFF80  }
0xeb: {  	_ =	swait.ge [sflag:s31], $0x20  }
0xec: {  	[sflag:s31] =	ssyncset.done $0x0  }
0xed: {  	[sflag:s31] =	ssyncadd.s32 $0xFFFFFFE0  }
0xee: {  	_ =	swait.ge [sflag:s31], $0x20  }
0xef: {  	[sflag:s31] =	ssyncset.done $0x0  }
0xf0: {  	[sflag:s31] =	ssyncadd.s32 $0xFFFFFFE0  }
0xf1: {  	_ =	swait.ge [sflag:s31], $0x20  }
.Ltmp3:
0xf2: {  	[sflag:s31] =	ssyncset.done $0x0;
	(pc) =	sbr.rel .LBB2_4-.Ltmp3, $4  }
0xf3: {  	[sflag:s31] =	ssyncadd.s32 $0xFFFFFFE0  }
0xf4: {  	_ =	swait.ge [sflag:s31], $0x20  }
0xf5: {  	[sflag:s31] =	ssyncset.done $0x0  }
0xf6: {  	s9 =	sxor.u32 $0x80000000, s9;
	s10 =	simm.s32 $0x0;
	[sflag:s31] =	ssyncadd.s32 $0xFFFFFFE0  }
.LBB2_5:
0xf7: {  	_ =	sdelay $0x1  }
0xf8: {  	v16 =	vor.u32 v1, v22;
	_ =	sdelay $0x1  }
0xf9: {  	[tilespmem:v13+s1+$0x0] =	vst.idx.msk $0xffff, v4  }
0xfa: {  	[tilespmem:v15+s1+$0x0] =	vst.idx.msk $0xffff, v4  }
0xfb: {  	[tilespmem:v14+s1+$0x0] =	vst.idx.msk $0xffff, v4  }
0xfc: {  	[tilespmem:v16+s1+$0x0] =	vst.idx.msk $0xffff, v4  }
.LBB2_10:
0xfd: {  	s10 =	sadd.s32 $0x1, s10  }
0xfe: {  	p3 =	sne.s32 s10, $0xA  }
.Ltmp4:
0xff: {  	_ = 	snop;
	(pc) =	sbr.rel @!p3 .LBB2_11-.Ltmp4, $1  }
0x100: {  	_ =	sdelay $0x3  }
.LBB2_4:
0x101: {  	p3 =	slt.u32 s10, $0x8;
	s11 =	smov.u32 s9  }
0x102: {  	s11 =	smov.u32 @p3 s8  }
0x103: {  	p4 =	sne.s32 s11, $0x0  }
.Ltmp5:
0x104: {  	_ = 	snop;
	(pc) =	sbr.rel @!p4 .LBB2_5-.Ltmp5, $4  }
0x105: {  	_ = 	snop  }
0x106: {  	s14 =	sshll.u32 s10, $0x6  }
0x107: {  	s13 =	sor.u32 $0x10, s14;
	v13 =	vor.u32 s14, v1;
	s12 =	sor.u32 $0x20, s14;
	s15 =	sor.u32 $0x30, s14  }
0x108: {  	v15 =	vor.u32 s13, v1;
	v14 =	vor.u32 s12, v1;
	v22 =	vmov s15  }
0x109: {  	p4 =	slt.s32 s11, $0x1  }
.Ltmp6:
0x10a: {  	_ = 	snop;
	(pc) =	sbr.rel @p4 .LBB2_10-.Ltmp6, $1  }
0x10b: {  	_ =	sdelay $0x3  }
0x10c: {  	s11 =	sadd.s32 $0x3, s11  }
0x10d: {  	s11 =	sshra.s32 s11, $0x2  }
0x10e: {  	p4 =	slt.s32 s11, $0x1  }
.Ltmp7:
0x10f: {  	_ = 	snop;
	(pc) =	sbr.rel @p4 .LBB2_8-.Ltmp7, $2  }
0x110: {  	_ =	sdelay $0x2  }
0x111: {  	v16 =	vor.u32 v1, v22  }
0x112: {  	v17 =	vmov s14;
	v21 =	vor.u32 $0x2B0, v1  }
0x113: {  	v29 =	vor.u32 $0x560, v1;
	v30 =	vor.u32 $0x810, v1;
	v18 =	vadd.s32 v21, v17  }
0x114: {  	v20 =	vmov s13;
	v19 =	vadd.s32 v29, v17;
	v17 =	vor.u32 v30, v17  }
0x115: {  	v24 =	vadd.s32 v21, v20  }
0x116: {  	v25 =	vadd.s32 v30, v20  }
0x117: {  	v26 =	vld.idx.msk [tilespmem:v13+s3+$0x0], $0xffff;
	v31 =	vmov s12  }
0x118: {  	v33 =	vadd.s32 v29, v31;
	v27 =	vld.idx.msk [tilespmem:v18+s3+$0x0], $0xffff  }
0x119: {  	v32 =	vadd.s32 v21, v31;
	v31 =	vor.u32 v30, v31;
	v30 =	vadd.s32 v30, v22;
	v28 =	vld.idx.msk [tilespmem:v17+s3+$0x0], $0xffff  }
0x11a: {  	s12 =	simm.s32 $0x0;
	v18 =	vadd.s32 v29, v20;
	v20 =	vld.idx.msk [tilespmem:v24+s3+$0x0], $0xffff  }
0x11b: {  	v34 =	vadd.s32 v21, v22;
	s12 =	simm.s32 @!p3 $0xE0;
	v17 =	vld.idx.msk [tilespmem:v25+s3+$0x0], $0xffff  }
0x11c: {  	s12 =	sadd.s32 $0x3, s12;
	v24 =	vld.idx.msk [tilespmem:v14+s3+$0x0], $0xffff  }
0x11d: {  	s15 =	sadd.s32 $0xFFFFFFFE, s12;
	v21 =	vld.idx.msk [tilespmem:v33+s3+$0x0], $0xffff  }
0x11e: {  	v29 =	vadd.s32 v29, v22;
	v33 =	vld.idx.msk [tilespmem:v30+s3+$0x0], $0xffff;
	v30 =	vmov s15  }
0x11f: {  	v25 =	vld.idx.msk [tilespmem:v32+s3+$0x0], $0xffff;
	v59 =	vand.u32 $0xFFFFFFFD, v30;
	v30 =	vmov s12  }
0x120: {  	v32 =	vld.idx.msk [tilespmem:v34+s3+$0x0], $0xffff;
	v34 =	vbroadcast v59, $0x0  }
0x121: {  	v22 =	vld.idx.msk [tilespmem:v31+s3+$0x0], $0xffff  }
0x122: {  	v31 =	vld.idx.msk [tilespmem:v16+s3+$0x0], $0xffff  }
0x123: {  	v29 =	vld.idx.msk [tilespmem:v29+s3+$0x0], $0xffff  }
0x124: {  	v36 =	vld.idx.msk [tilespmem:v30+s26+$0x0], $0xffff  }
0x125: {  	s14 =	sadd.s32 $0xFFFFFFFD, s12;
	v39 =	vld.idx.msk [tilespmem:v30+s2+$0x0], $0xffff  }
0x126: {  	v35 =	vimm.s32 $0xFFFFFFFE;
	v40 =	vmov s14;
	v37 =	vld.idx.msk [tilespmem:v34+s2+$0x0], $0xffff  }
0x127: {  	v60 =	vimm.s32 $0x0;
	v61 =	vimm.s32 $0x0;
	v40 =	vand.u32 $0xFFFFFFFC, v40;
	v38 =	vld.idx.msk [tilespmem:v34+s26+$0x0], $0xffff  }
0x128: {  	v23 =	vld.idx.msk [tilespmem:v15+s3+$0x0], $0xffff;
	v42 =	vimm.s32 $0x0;
	v63 =	vimm.s32 $0x0;
	v40 =	vbroadcast v40, $0x0;
	s15 =	sadd.s32 $0xFFFFFFFF, s12  }
0x129: {  	v62 =	vmov s15;
	vm0 =	vgt.f32 v36, v20;
	vm1 =	vgt.f32 v36, v25  }
0x12a: {  	vm2 =	vgt.f32 v36, v32;
	vm3 =	vgt.f32 v36, v27;
	vm11 =	vlt.f32 v39, v29  }
0x12b: {  	vm4 =	vgt.f32 v37, v26;
	vm6 =	vgt.f32 v37, v31;
	vm5 =	vgt.f32 v37, v24  }
0x12c: {  	v19 =	vld.idx.msk [tilespmem:v19+s3+$0x0], $0xffff;
	vm7 =	vgt.f32 v38, v25;
	vm8 =	vgt.f32 v38, v20;
	vm9 =	vgt.f32 v38, v32  }
0x12d: {  	vm10 =	vgt.f32 v37, v23;
	vm5 =	vmand vm5, vm7;
	vm7 =	vlt.f32 v37, v21  }
0x12e: {  	v18 =	vld.idx.msk [tilespmem:v18+s3+$0x0], $0xffff;
	vm6 =	vmand vm6, vm9;
	vm9 =	vgt.f32 v39, v31;
	vm5 =	vmand vm7, vm5  }
0x12f: {  	vm7 =	vmand vm10, vm8;
	vm8 =	vgt.f32 v38, v27;
	vm2 =	vmand vm9, vm2  }
0x130: {  	vm9 =	vgt.f32 v39, v24;
	vm10 =	vgt.f32 v39, v26;
	vm4 =	vmand vm4, vm8  }
0x131: {  	vm8 =	vlt.f32 v37, v19;
	vm1 =	vmand vm9, vm1;
	vm9 =	vlt.f32 v39, v21  }
0x132: {  	vm3 =	vmand vm10, vm3;
	vm4 =	vmand vm8, vm4;
	vm8 =	vgt.f32 v39, v23  }
0x133: {  	vm9 =	vmand vm9, vm1;
	vm1 =	vlt.f32 v39, v18;
	vm0 =	vmand vm8, vm0  }
0x134: {  	vm0 =	vmand vm1, vm0;
	vm1 =	vmand vm11, vm2;
	vm2 =	vlt.f32 v36, v33  }
0x135: {  	vm10 =	vlt.f32 v36, v17;
	vm8 =	vlt.f32 v39, v19;
	vm14 =	vmand vm2, vm1  }
0x136: {  	vm1 =	vmand vm8, vm3;
	vm3 =	vlt.f32 v36, v28;
	vm0 =	vmand vm10, vm0  }
0x137: {  	vm8 =	vlt.f32 v38, v33;
	v39 =	vsel vm0, $0xFFFFFFFF, v60;
	vm0 =	vlt.f32 v38, v28  }
0x138: {  	vm15 =	vmand vm3, vm1;
	vm3 =	vlt.f32 v36, v22;
	[tilespmem:$0x1FFC0] =	vst v39;
	vm0 =	vmand vm0, vm4  }
0x139: {  	vm10 =	vlt.f32 v37, v29;
	v39 =	vld.idx.msk [tilespmem:v40+s2+$0x0], $0xffff;
	v36 =	vsel vm0, $0xFFFFFFFF, v61;
	vm0 =	vmand vm3, vm9  }
0x13a: {  	vm10 =	vmand vm10, vm6;
	v41 =	vld.idx.msk [tilespmem:v40+s26+$0x0], $0xffff;
	vm9 =	vlt.f32 v37, v18;
	v42 =	vsel vm0, $0xFFFFFFFF, v42  }
0x13b: {  	vm0 =	vlt.f32 v38, v17;
	vm7 =	vmand vm9, vm7;
	vm9 =	vlt.f32 v38, v22  }
0x13c: {  	[tilespmem:$0x1FFD0] =	vst v36;
	v36 =	vand.u32 $0xFFFFFFFE, v62;
	vm6 =	vmand vm0, vm7;
	vm0 =	vmand vm9, vm5  }
0x13d: {  	v38 =	vimm.s32 $0xFFFFFFFE;
	v36 =	vbroadcast v36, $0x0;
	v37 =	vsel vm0, $0xFFFFFFFF, v63  }
0x13e: {  	vm7 =	vmand vm8, vm10;
	[tilespmem:$0x1FFF0] =	vst v37;
	v37 =	vimm.s32 $0xFFFFFFFE;
	vm0 =	vgt.f32 v39, v26  }
0x13f: {  	vm9 =	vgt.f32 v39, v23;
	vm10 =	vgt.f32 v41, v27;
	vm8 =	vlt.f32 v39, v29  }
0x140: {  	p3 =	seq.s32 s11, $0x1;
	vm11 =	vgt.f32 v41, v20;
	vm13 =	vgt.f32 v41, v32;
	vm12 =	vgt.f32 v41, v25  }
.Ltmp8:
0x141: {  	[tilespmem:$0x1FFE0] =	vst v42;
	vm0 =	vmand vm0, vm10;
	vm9 =	vmand vm9, vm11;
	vm11 =	vgt.f32 v39, v24;
	(pc) =	sbr.rel @p3 .LBB2_20-.Ltmp8, $4  }
0x142: {  	v34 =	vld.idx.msk [tilespmem:v34+s28+$0x0], $0xffff;
	vm10 =	vlt.f32 v39, v19;
	vm11 =	vmand vm11, vm12;
	vm12 =	vlt.f32 v39, v18  }
0x143: {  	v43 =	vld.idx.msk [tilespmem:v40+s28+$0x0], $0xffff;
	vm10 =	vmand vm10, vm0;
	vm0 =	vlt.f32 v39, v21;
	vm12 =	vmand vm12, vm9  }
0x144: {  	vm9 =	vgt.f32 v39, v31;
	vm0 =	vmand vm0, vm11;
	vm11 =	vlt.f32 v41, v22;
	v42 =	vld.idx.msk [tilespmem:v36+s26+$0x0], $0xffff  }
0x145: {  	s11 =	sadd.s32 $0xFFFFFFFF, s11;
	s12 =	sadd.s32 $0x4, s12;
	v40 =	vld.idx.msk [tilespmem:v36+s2+$0x0], $0xffff;
	v39 =	vimm.s32 $0xFFFFFFFE;
	vm13 =	vmand vm9, vm13;
	vm9 =	vlt.f32 v41, v33  }
.LBB2_19:
0x146: {  	v44 =	vimm.s32 $0x0;
	v58 =	vimm.s32 $0x0;
	vm0 =	vmand vm11, vm0  }
0x147: {  	s13 =	sadd.s32 $0xFFFFFFFE, s12;
	vm8 =	vmand vm8, vm13;
	v45 =	vmov s12;
	v61 =	vimm.s32 $0x0  }
0x148: {  	s14 =	sadd.s32 $0xFFFFFFFD, s12;
	v44 =	vsel vm15, $0xFFFFFFFF, v44;
	v59 =	vmov s13;
	vm8 =	vmand vm9, vm8  }
0x149: {  	vm9 =	vlt.f32 v41, v17;
	v56 =	vmov s14;
	[tilespmem:$0x1FFB0] =	vst v44;
	v44 =	vsel vm14, $0xFFFFFFFF, v58  }
0x14a: {  	vm14 =	vlt.f32 v41, v28;
	v58 =	vimm.s32 $0x0;
	[tilespmem:$0x1FFA0] =	vst v44;
	v44 =	vand.u32 $0xFFFFFFFD, v59  }
0x14b: {  	vm10 =	vmand vm14, vm10;
	v35 =	vsel vm8, v43, v35;
	v60 =	vbroadcast v44, $0x0  }
0x14c: {  	vm8 =	vmand vm9, vm12;
	vm9 =	vlt.f32 v42, v22;
	vm14 =	vlt.f32 v42, v33  }
0x14d: {  	v47 =	vld [tilespmem:$0x1FFD0];
	vm15 =	vlt.f32 v42, v28;
	vm1 =	vlt.f32 v42, v17;
	vm11 =	vgt.f32 v40, v31  }
0x14e: {  	v37 =	vsel vm0, v43, v37;
	vm12 =	vgt.f32 v40, v26;
	vm13 =	vgt.f32 v40, v23  }
0x14f: {  	v48 =	vld [tilespmem:$0x1FFF0];
	vm2 =	vlt.f32 v40, v19;
	v38 =	vsel vm10, v43, v38;
	vm3 =	vgt.f32 v42, v25  }
0x150: {  	vm4 =	vlt.f32 v40, v29;
	v39 =	vsel vm8, v43, v39;
	v44 =	vsel vm1, $0xFFFFFFFF, v61  }
0x151: {  	s15 =	sadd.s32 $0xFFFFFFFF, s12;
	v35 =	vsel vm7, v34, v35;
	vm1 =	vgt.f32 v42, v27;
	vm8 =	vgt.f32 v42, v20  }
0x152: {  	vm0 =	vnez.u8 v47;
	vm7 =	vlt.f32 v40, v18;
	v61 =	vmov s15  }
0x153: {  	v36 =	vld.idx.msk [tilespmem:v36+s28+$0x0], $0xffff;
	v39 =	vsel vm6, v34, v39;
	vm6 =	vgt.f32 v40, v24;
	v38 =	vsel vm0, v34, v38  }
0x154: {  	v62 =	vld.idx.msk [tilespmem:v45+s26+$0x0], $0xffff;
	vm5 =	vmand vm12, vm1;
	vm1 =	vgt.f32 v42, v32;
	vm0 =	vnez.u8 v48  }
0x155: {  	v49 =	vld.idx.msk [tilespmem:v45+s2+$0x0], $0xffff;
	vm8 =	vmand vm13, vm8;
	v37 =	vsel vm0, v34, v37;
	vm0 =	vmand vm11, vm1  }
0x156: {  	vm2 =	vmand vm2, vm5;
	vm3 =	vmand vm6, vm3;
	vm0 =	vmand vm4, vm0  }
0x157: {  	vm2 =	vmand vm15, vm2;
	vm4 =	vlt.f32 v40, v21;
	vm0 =	vmand vm14, vm0;
	v46 =	vld.idx.msk [tilespmem:v60+s2+$0x0], $0xffff  }
0x158: {  	vm3 =	vmand vm4, vm3;
	v38 =	vsel vm2, v36, v38;
	vm2 =	vmand vm7, vm8;
	v63 =	vld.idx.msk [tilespmem:v60+s26+$0x0], $0xffff  }
0x159: {  	v52 =	vld [tilespmem:$0x1FFE0];
	vm1 =	vgt.f32 v62, v20;
	vm11 =	vgt.f32 v62, v25;
	vm12 =	vgt.f32 v62, v32  }
0x15a: {  	v53 =	vld [tilespmem:$0x1FFC0];
	vm10 =	vgt.f32 v62, v27;
	v35 =	vsel vm0, v36, v35;
	vm8 =	vgt.f32 v49, v24  }
0x15b: {  	[tilespmem:$0x1FF90] =	vst v44;
	v34 =	vld.idx.msk [tilespmem:v60+s28+$0x0], $0xffff;
	v60 =	vimm.s32 $0x0;
	vm8 =	vmand vm8, vm11;
	vm11 =	vlt.f32 v49, v29  }
0x15c: {  	v51 =	vld [tilespmem:$0x1FF90];
	vm14 =	vgt.f32 v46, v26;
	vm15 =	vgt.f32 v46, v31;
	vm0 =	vgt.f32 v46, v24  }
0x15d: {  	v50 =	vld.idx.msk [tilespmem:v30+s28+$0x0], $0xffff;
	vm5 =	vgt.f32 v63, v25;
	vm6 =	vgt.f32 v63, v20;
	vm13 =	vgt.f32 v63, v32  }
0x15e: {  	vm4 =	vgt.f32 v46, v23;
	vm0 =	vmand vm0, vm5;
	vm5 =	vlt.f32 v46, v21  }
0x15f: {  	vm7 =	vmand vm4, vm6;
	vm6 =	vmand vm15, vm13;
	vm4 =	vgt.f32 v49, v31  }
0x160: {  	vm5 =	vmand vm5, vm0;
	vm0 =	vmand vm9, vm3;
	vm3 =	vnez.u8 v52  }
0x161: {  	vm9 =	vnez.u8 v53;
	v37 =	vsel vm0, v36, v37;
	vm0 =	vnez.u8 v51  }
0x162: {  	v54 =	vld [tilespmem:$0x1FFA0];
	vm0 =	vmand vm0, vm2;
	vm2 =	vgt.f32 v63, v27;
	v37 =	vsel vm3, v50, v37  }
0x163: {  	v36 =	vsel vm0, v36, v39;
	vm0 =	vmand vm14, vm2;
	vm2 =	vlt.f32 v46, v19  }
0x164: {  	v55 =	vld [tilespmem:$0x1FFB0];
	vm3 =	vmand vm2, vm0;
	vm0 =	vgt.f32 v49, v23;
	vm2 =	vmand vm4, vm12  }
0x165: {  	vm4 =	vgt.f32 v49, v26;
	v39 =	vsel vm9, v50, v36;
	vm9 =	vlt.f32 v49, v21  }
0x166: {  	v36 =	vand.u32 $0xFFFFFFFC, v56;
	vm4 =	vmand vm4, vm10;
	vm8 =	vmand vm9, vm8  }
0x167: {  	vm9 =	vnez.u8 v54;
	vm0 =	vmand vm0, vm1;
	vm1 =	vlt.f32 v49, v18  }
0x168: {  	v57 =	vbroadcast v36, $0x0;
	vm10 =	vlt.f32 v62, v17;
	v35 =	vsel vm9, v50, v35  }
0x169: {  	vm9 =	vnez.u8 v55;
	vm0 =	vmand vm1, vm0;
	vm1 =	vmand vm11, vm2  }
0x16a: {  	vm2 =	vlt.f32 v62, v33;
	v38 =	vsel vm9, v50, v38;
	vm9 =	vlt.f32 v49, v19  }
0x16b: {  	vm14 =	vmand vm2, vm1;
	vm2 =	vlt.f32 v62, v28;
	vm0 =	vmand vm10, vm0  }
0x16c: {  	vm1 =	vmand vm9, vm4;
	v36 =	vsel vm0, $0xFFFFFFFF, v58;
	vm0 =	vlt.f32 v63, v28  }
0x16d: {  	vm4 =	vlt.f32 v63, v22;
	vm15 =	vmand vm2, vm1;
	vm1 =	vlt.f32 v62, v22  }
0x16e: {  	vm0 =	vmand vm0, vm3;
	v62 =	vimm.s32 $0x0;
	vm2 =	vlt.f32 v46, v18  }
0x16f: {  	[tilespmem:$0x1FFC0] =	vst v36;
	vm3 =	vlt.f32 v46, v29;
	v36 =	vsel vm0, $0xFFFFFFFF, v60;
	vm0 =	vmand vm1, vm8;
	v59 =	vld.idx.msk [tilespmem:v57+s2+$0x0], $0xffff  }
0x170: {  	vm1 =	vlt.f32 v63, v33;
	vm2 =	vmand vm2, vm7;
	vm3 =	vmand vm3, vm6;
	v41 =	vld.idx.msk [tilespmem:v57+s26+$0x0], $0xffff  }
0x171: {  	[tilespmem:$0x1FFD0] =	vst v36;
	v40 =	vsel vm0, $0xFFFFFFFF, v62;
	vm0 =	vlt.f32 v63, v17;
	v36 =	vand.u32 $0xFFFFFFFE, v61  }
0x172: {  	v63 =	vimm.s32 $0x0;
	vm6 =	vmand vm0, vm2;
	vm0 =	vmand vm4, vm5  }
0x173: {  	vm7 =	vmand vm1, vm3;
	[tilespmem:$0x1FFE0] =	vst v40;
	v36 =	vbroadcast v36, $0x0;
	v40 =	vsel vm0, $0xFFFFFFFF, v63  }
0x174: {  	vm0 =	vgt.f32 v59, v26;
	vm1 =	vgt.f32 v59, v23;
	vm8 =	vlt.f32 v59, v29  }
0x175: {  	p3 =	seq.s32 s11, $0x1;
	vm2 =	vgt.f32 v41, v27;
	vm3 =	vgt.f32 v41, v20;
	vm11 =	vlt.f32 v41, v22  }
.Ltmp9:
0x176: {  	vm9 =	vlt.f32 v41, v33;
	vm4 =	vlt.f32 v59, v19;
	vm5 =	vlt.f32 v59, v18;
	(pc) =	sbr.rel @!p3 .LBB2_19-.Ltmp9, $4  }
0x177: {  	vm12 =	vgt.f32 v59, v24;
	vm13 =	vgt.f32 v41, v25;
	vm0 =	vmand vm0, vm2  }
0x178: {  	v43 =	vld.idx.msk [tilespmem:v57+s28+$0x0], $0xffff;
	vm2 =	vgt.f32 v41, v32;
	vm1 =	vmand vm1, vm3;
	vm3 =	vlt.f32 v59, v21  }
0x179: {  	v42 =	vld.idx.msk [tilespmem:v36+s26+$0x0], $0xffff;
	vm10 =	vmand vm4, vm0;
	vm0 =	vmand vm12, vm13;
	vm4 =	vgt.f32 v59, v31  }
0x17a: {  	s11 =	sadd.s32 $0xFFFFFFFF, s11;
	s12 =	sadd.s32 $0x4, s12;
	v30 =	vmovc v45;
	[tilespmem:$0x1FFF0] =	vst v40;
	v40 =	vld.idx.msk [tilespmem:v36+s2+$0x0], $0xffff;
	vm12 =	vmand vm5, vm1;
	vm0 =	vmand vm3, vm0;
	vm13 =	vmand vm4, vm2  }
.LBB2_20:
0x17b: {  	vm0 =	vmand vm11, vm0  }
0x17c: {  	vm1 =	vmand vm8, vm13;
	vm2 =	vlt.f32 v41, v17;
	vm3 =	vlt.f32 v41, v28  }
0x17d: {  	v62 =	vld [tilespmem:$0x1FFD0];
	vm1 =	vmand vm9, vm1;
	vm2 =	vmand vm2, vm12;
	vm8 =	vmand vm3, vm10  }
0x17e: {  	v63 =	vld [tilespmem:$0x1FFF0];
	v35 =	vsel vm1, v43, v35;
	v39 =	vsel vm2, v43, v39;
	v37 =	vsel vm0, v43, v37  }
0x17f: {  	v60 =	vsel vm8, v43, v38;
	vm0 =	vlt.f32 v42, v33;
	v59 =	vsel vm7, v34, v35  }
0x180: {  	vm2 =	vlt.f32 v42, v28;
	v61 =	vsel vm6, v34, v39;
	vm10 =	vgt.f32 v42, v27  }
0x181: {  	vm12 =	vgt.f32 v42, v32;
	vm9 =	vgt.f32 v40, v26;
	vm11 =	vgt.f32 v40, v31  }
0x182: {  	vm13 =	vlt.f32 v40, v19;
	vm8 =	vgt.f32 v40, v23;
	vm4 =	vnez.u8 v62  }
0x183: {  	vm1 =	vmand vm9, vm10;
	vm5 =	vnez.u8 v63;
	vm3 =	vmand vm11, vm12  }
0x184: {  	vm9 =	vlt.f32 v40, v29;
	vm10 =	vgt.f32 v42, v20;
	vm11 =	vgt.f32 v40, v24  }
0x185: {  	v19 =	vld.idx.msk [tilespmem:v36+s28+$0x0], $0xffff;
	vm12 =	vgt.f32 v42, v25;
	v27 =	vsel vm4, v34, v60;
	v28 =	vsel vm5, v34, v37  }
0x186: {  	vm1 =	vmand vm13, vm1;
	vm3 =	vmand vm9, vm3;
	vm13 =	vlt.f32 v40, v21  }
0x187: {  	vm4 =	vmand vm8, vm10;
	vm8 =	vlt.f32 v42, v22;
	vm9 =	vlt.f32 v40, v18  }
0x188: {  	vm10 =	vlt.f32 v42, v17;
	vm1 =	vmand vm2, vm1;
	vm2 =	vmand vm11, vm12  }
0x189: {  	vm0 =	vmand vm0, vm3;
	vm3 =	vmand vm9, vm4;
	vm2 =	vmand vm13, vm2  }
0x18a: {  	vm11 =	vmand vm10, vm3;
	vm2 =	vmand vm8, vm2;
	v21 =	vsel vm0, v19, v59  }
0x18b: {  	v22 =	vsel vm1, v19, v27;
	v18 =	vsel vm11, v19, v61;
	v17 =	vsel vm2, v19, v28;
	v19 =	vld [tilespmem:$0x1FFE0];
	_ =	sdelay $0x3  }
0x18c: {  	v20 =	vld.idx.msk [tilespmem:v30+s28+$0x0], $0xffff  }
0x18d: {  	vm12 =	vnez.u8 v19;
	v19 =	vld [tilespmem:$0x1FFC0];
	_ =	sdelay $0x1  }
.Ltmp10:
0x18e: {  	_ = 	snop;
	(pc) =	sbr.rel .LBB2_9-.Ltmp10, $3  }
0x18f: {  	_ =	sdelay $0x1  }
0x190: {  	v17 =	vsel vm12, v20, v17;
	vm13 =	vnez.u8 v19  }
0x191: {  	v19 =	vsel vm14, v20, v21;
	v18 =	vsel vm13, v20, v18;
	v20 =	vsel vm15, v20, v22  }
.LBB2_8:
0x192: {  	v20 =	vimm.s32 $0xFFFFFFFE  }
0x193: {  	v18 =	vimm.s32 $0xFFFFFFFE;
	v17 =	vimm.s32 $0xFFFFFFFE;
	v19 =	vimm.s32 $0xFFFFFFFE  }
.LBB2_9:
0x194: {  	_ =	sdelay $0x2  }
.Ltmp11:
0x195: {  	_ = 	snop;
	(pc) =	sbr.rel .LBB2_10-.Ltmp11, $4  }
0x196: {  	[tilespmem:v13+s1+$0x0] =	vst.idx.msk $0xffff, v20  }
0x197: {  	[tilespmem:v15+s1+$0x0] =	vst.idx.msk $0xffff, v18  }
0x198: {  	[tilespmem:v14+s1+$0x0] =	vst.idx.msk $0xffff, v17  }
0x199: {  	[tilespmem:v16+s1+$0x0] =	vst.idx.msk $0xffff, v19  }
.LBB2_11:
0x19a: {  	s7 =	sadd.s32 $0x80000001, s7  }
0x19b: {  	s7 =	sshra.s32 s7, $0x1  }
0x19c: {  	p3 =	slt.s32 s7, $0x1  }
.Ltmp12:
0x19d: {  	_ = 	snop;
	(pc) =	sbr.rel @p3 .LBB2_15-.Ltmp12, $4  }
0x19e: {  	_ = 	snop  }
0x19f: {  	[hbm4b:s20+s3] =	stream.linear.scatter [tilespmem:s1], [sflag:$0x2], $0x200, $0x38;
	[tilespmem:$0x1F00] =	vst v63  }
0x1a0: {  	s8 =	simm.s32 $0x1E00  }
0x1a1: {  	v14 =	vimm.s32 $0xFFFFFFFE;
	v13 =	vimm.s32 $0xFFFFFFFE;
	v15 =	vimm.s32 $0xFFFFFFFE;
	[hbm4b:s21+s3] =	stream.linear.scatter [tilespmem:s8], [sflag:$0x3], $0x80, $0x38;
	[tilespmem:$0x1F00] =	vst v63  }
0x1a2: {  	_ =	sdelay $0x3  }
0x1a3: {  	v25 =	vld.idx.msk [tilespmem:v5+s3+$0x0], $0xffff  }
0x1a4: {  	v18 =	vld.idx.msk [tilespmem:v6+s3+$0x0], $0xffff  }
0x1a5: {  	v26 =	vld.idx.msk [tilespmem:v7+s3+$0x0], $0xffff;
	s8 =	simm.s32 $0x1C0  }
0x1a6: {  	v13 =	vld.idx.msk [tilespmem:v8+s3+$0x0], $0xffff;
	s15 =	sadd.s32 $0x1C0, s7;
	v20 =	vmov s8  }
0x1a7: {  	v27 =	vld.idx.msk [tilespmem:v9+s3+$0x0], $0xffff;
	v30 =	vmov s15  }
0x1a8: {  	v19 =	vld.idx.msk [tilespmem:v10+s3+$0x0], $0xffff  }
0x1a9: {  	v16 =	vld.idx.msk [tilespmem:v11+s3+$0x0], $0xffff  }
0x1aa: {  	v15 =	vld.idx.msk [tilespmem:v12+s3+$0x0], $0xffff;
	p3 =	seq.s32 s7, $0x1  }
.Ltmp13:
0x1ab: {  	v28 =	vld.idx.msk [tilespmem:v20+s2+$0x0], $0xffff;
	(pc) =	sbr.rel @p3 .LBB2_14-.Ltmp13, $4  }
0x1ac: {  	v31 =	vld.idx.msk [tilespmem:v30+s2+$0x0], $0xffff  }
0x1ad: {  	v23 =	vld.idx.msk [tilespmem:v30+s26+$0x0], $0xffff  }
0x1ae: {  	v17 =	vimm.s32 $0xFFFFFFFE;
	v24 =	vld.idx.msk [tilespmem:v20+s26+$0x0], $0xffff  }
0x1af: {  	v21 =	vimm.s32 $0xFFFFFFFE;
	v22 =	vimm.s32 $0xFFFFFFFE;
	s8 =	simm.s32 $0x1;
	v29 =	vld.idx.msk [tilespmem:v20+s28+$0x0], $0xffff;
	v20 =	vimm.s32 $0xFFFFFFFE  }
.LBB2_13:
0x1b0: {  	s9 =	sadd.s32 $0x1C0, s8;
	vm1 =	vgt.f32 v28, v25;
	vm0 =	vlt.f32 v28, v26;
	vm2 =	vgt.f32 v28, v27;
	v32 =	vld.idx.msk [tilespmem:v30+s28+$0x0], $0xffff  }
0x1b1: {  	s8 =	sadd.s32 $0x1, s8;
	vm3 =	vgt.f32 v31, v25;
	vm4 =	vlt.f32 v31, v26;
	v34 =	vmovc v28;
	v33 =	vmov s9;
	s9 =	sadd.s32 s7, s9  }
0x1b2: {  	vm5 =	vgt.f32 v31, v27;
	p3 =	seq.s32 s7, s8;
	vm6 =	vgt.f32 v23, v19;
	v30 =	vmov s9  }
0x1b3: {  	vm7 =	vgt.f32 v23, v18;
	vm5 =	vmand vm5, vm6;
	vm6 =	vlt.f32 v31, v16  }
0x1b4: {  	vm8 =	vgt.f32 v24, v18;
	vm5 =	vmand vm6, vm5;
	vm6 =	vlt.f32 v23, v15;
	v35 =	vmovc v29  }
0x1b5: {  	vm9 =	vgt.f32 v24, v19;
	vm3 =	vmand vm3, vm7;
	vm5 =	vmand vm6, vm5  }
0x1b6: {  	vm1 =	vmand vm1, vm8;
	vm2 =	vmand vm2, vm9;
	v17 =	vsel vm5, v32, v17;
	v28 =	vld.idx.msk [tilespmem:v33+s2+$0x0], $0xffff  }
.Ltmp14:
0x1b7: {  	vm3 =	vmand vm4, vm3;
	vm0 =	vmand vm0, vm1;
	vm1 =	vlt.f32 v34, v16;
	v31 =	vld.idx.msk [tilespmem:v30+s2+$0x0], $0xffff;
	(pc) =	sbr.rel @!p3 .LBB2_13-.Ltmp14, $4  }
0x1b8: {  	vm4 =	vlt.f32 v24, v13;
	vm1 =	vmand vm1, vm2;
	vm2 =	vlt.f32 v23, v13;
	v23 =	vld.idx.msk [tilespmem:v30+s26+$0x0], $0xffff  }
0x1b9: {  	vm0 =	vmand vm4, vm0;
	vm4 =	vlt.f32 v24, v15;
	vm2 =	vmand vm2, vm3;
	v24 =	vld.idx.msk [tilespmem:v33+s26+$0x0], $0xffff  }
0x1ba: {  	v20 =	vsel vm0, v35, v20;
	vm0 =	vmand vm4, vm1;
	v21 =	vsel vm2, v32, v21;
	v29 =	vld.idx.msk [tilespmem:v33+s28+$0x0], $0xffff  }
0x1bb: {  	v22 =	vsel vm0, v35, v22  }
.LBB2_14:
0x1bc: {  	vm0 =	vgt.f32 v28, v25;
	vm1 =	vlt.f32 v28, v26  }
0x1bd: {  	vm2 =	vgt.f32 v28, v27;
	vm12 =	vlt.f32 v28, v16;
	vm3 =	vgt.f32 v31, v25  }
0x1be: {  	vm4 =	vlt.f32 v31, v26;
	vm5 =	vgt.f32 v31, v27;
	vm14 =	vlt.f32 v31, v16  }
0x1bf: {  	vm6 =	vgt.f32 v23, v19;
	vm7 =	vgt.f32 v23, v18;
	vm15 =	vlt.f32 v23, v15  }
0x1c0: {  	v30 =	vld.idx.msk [tilespmem:v30+s28+$0x0], $0xffff;
	vm5 =	vmand vm5, vm6;
	vm8 =	vgt.f32 v24, v18;
	vm9 =	vgt.f32 v24, v19  }
0x1c1: {  	vm3 =	vmand vm3, vm7;
	vm13 =	vlt.f32 v24, v13;
	vm5 =	vmand vm14, vm5  }
0x1c2: {  	vm0 =	vmand vm0, vm8;
	vm2 =	vmand vm2, vm9;
	vm3 =	vmand vm4, vm3  }
0x1c3: {  	vm14 =	vlt.f32 v23, v13;
	vm5 =	vmand vm15, vm5;
	vm0 =	vmand vm1, vm0  }
0x1c4: {  	vm1 =	vmand vm12, vm2;
	vm15 =	vlt.f32 v24, v15;
	vm2 =	vmand vm14, vm3  }
0x1c5: {  	v17 =	vsel vm5, v30, v17;
	vm0 =	vmand vm13, vm0;
	vm1 =	vmand vm15, vm1  }
0x1c6: {  	v15 =	vsel vm2, v30, v21;
	v13 =	vsel vm0, v29, v20;
	v16 =	vsel vm1, v29, v22  }
0x1c7: {  	vm0 =	vgt.s32 v13, v15;
	vm1 =	vgt.s32 v16, v17  }
0x1c8: {  	v13 =	vsel vm0, v13, v15;
	v15 =	vsel vm1, v16, v17  }
.LBB2_15:
0x1c9: {  	s6 =	smov.u32 @p0 s5  }
0x1ca: {  	s5 =	sadd.s32 $0x80000003, s6  }
0x1cb: {  	s5 =	sshra.s32 s5, $0x2  }
0x1cc: {  	s5 =	simm.s32 @!p2 $0x0  }
0x1cd: {  	p3 =	sgt.s32 s5, $0x0  }
.Ltmp15:
0x1ce: {  	_ = 	snop;
	(pc) =	sbr.rel @!p3 .LBB2_22-.Ltmp15, $3  }
0x1cf: {  	_ =	sdelay $0x1  }
0x1d0: {  	[tilespmem:v5+s1+$0x0] =	vst.idx.msk $0xffff, v13  }
0x1d1: {  	v13 =	vor.u32 $0x2A0, v1;
	[tilespmem:v9+s1+$0x0] =	vst.idx.msk $0xffff, v15  }
0x1d2: {  	v15 =	vor.u32 $0x550, v1  }
0x1d3: {  	v16 =	vor.u32 $0x800, v1  }
0x1d4: {  	v17 =	vor.u32 $0xAB0, v1;
	s8 =	sadd.s32 s5, s23;
	s9 =	sadd.s32 $0x0, s23  }
0x1d5: {  	s7 =	smul.u32 $0x3, s5;
	s6 =	sshll.u32 s5, $0x1;
	v37 =	vmov s9;
	s15 =	sadd.s32 $0x0, s8  }
0x1d6: {  	v14 =	vld.idx.msk [tilespmem:v13+s3+$0x0], $0xffff;
	s6 =	sadd.s32 s23, s6;
	v38 =	vmov s15  }
0x1d7: {  	s7 =	sadd.s32 s23, s7;
	s10 =	sadd.s32 $0x0, s6;
	v18 =	vld.idx.msk [tilespmem:v15+s3+$0x0], $0xffff  }
0x1d8: {  	s14 =	sadd.s32 $0x0, s7;
	v36 =	vmov s10;
	v15 =	vld.idx.msk [tilespmem:v16+s3+$0x0], $0xffff  }
0x1d9: {  	v30 =	vmov s14;
	v17 =	vld.idx.msk [tilespmem:v17+s3+$0x0], $0xffff  }
0x1da: {  	p4 =	seq.s32 s5, $0x1;
	v19 =	vld.idx.msk [tilespmem:v37+s26+$0x0], $0xffff  }
.Ltmp16:
0x1db: {  	v24 =	vld.idx.msk [tilespmem:v38+s2+$0x0], $0xffff;
	(pc) =	sbr.rel @p4 .LBB2_17-.Ltmp16, $4  }
0x1dc: {  	v22 =	vld.idx.msk [tilespmem:v38+s26+$0x0], $0xffff  }
0x1dd: {  	v35 =	vld.idx.msk [tilespmem:v36+s26+$0x0], $0xffff  }
0x1de: {  	v34 =	vld.idx.msk [tilespmem:v30+s2+$0x0], $0xffff  }
0x1df: {  	p3 =	por $0x0, $0x0;
	v16 =	vimm.s32 $0xFFFFFFFE;
	v26 =	vld.idx.msk [tilespmem:v30+s26+$0x0], $0xffff  }
0x1e0: {  	_ =	sdelay $0x3  }
0x1e1: {  	s9 =	sadd.s32 $0x1, s23;
	vm1 =	vgt.f32 v19, v18;
	v20 =	vld.idx.msk [tilespmem:v36+s2+$0x0], $0xffff  }
0x1e2: {  	s10 =	sadd.s32 $0x1, s8;
	s15 =	sadd.s32 $0x1, s7;
	v21 =	vld.idx.msk [tilespmem:v37+s2+$0x0], $0xffff;
	vm0 =	vlt.f32 v19, v17;
	vm5 =	vgt.f32 v24, v14;
	v25 =	vmov s9  }
0x1e3: {  	s11 =	sadd.s32 $0x1, s6;
	v32 =	vld.idx.msk [tilespmem:v38+s28+$0x0], $0xffff;
	vm8 =	vlt.f32 v24, v15;
	v27 =	vmov s10;
	v28 =	vmov s15  }
0x1e4: {  	v23 =	vld.idx.msk [tilespmem:v37+s28+$0x0], $0xffff;
	v31 =	vmov s11;
	vm7 =	vgt.f32 v22, v18;
	vm2 =	vgt.f32 v35, v18  }
0x1e5: {  	v29 =	vld.idx.msk [tilespmem:v36+s28+$0x0], $0xffff;
	vm5 =	vmand vm5, vm7;
	vm7 =	vlt.f32 v22, v17;
	vm15 =	vlt.f32 v35, v17  }
0x1e6: {  	v33 =	vld.idx.msk [tilespmem:v30+s28+$0x0], $0xffff;
	vm6 =	vgt.f32 v34, v14;
	vm5 =	vmand vm8, vm5;
	vm3 =	vgt.f32 v26, v18  }
0x1e7: {  	p4 =	seq.s32 s5, $0x2;
	vm4 =	vlt.f32 v26, v17;
	vm5 =	vmand vm7, vm5;
	vm3 =	vmand vm6, vm3;
	v19 =	vld.idx.msk [tilespmem:v25+s26+$0x0], $0xffff  }
.Ltmp17:
0x1e8: {  	vm6 =	vgt.f32 v20, v14;
	vm7 =	vlt.f32 v20, v15;
	v20 =	vsel vm5, v32, v16;
	v30 =	vld.idx.msk [tilespmem:v28+s2+$0x0], $0xffff;
	(pc) =	sbr.rel @p4 .LBB2_25-.Ltmp17, $4  }
0x1e9: {  	vm5 =	vgt.f32 v21, v14;
	vm2 =	vmand vm6, vm2;
	vm6 =	vlt.f32 v34, v15;
	v34 =	vld.idx.msk [tilespmem:v31+s26+$0x0], $0xffff  }
0x1ea: {  	v32 =	vimm.s32 $0xFFFFFFFE;
	v26 =	vld.idx.msk [tilespmem:v28+s26+$0x0], $0xffff;
	vm2 =	vmand vm7, vm2;
	vm3 =	vmand vm6, vm3  }
0x1eb: {  	v24 =	vld.idx.msk [tilespmem:v27+s2+$0x0], $0xffff;
	vm2 =	vmand vm15, vm2;
	vm6 =	vmand vm4, vm3;
	vm3 =	vmand vm5, vm1  }
0x1ec: {  	p3 =	por $0x1, $0x1;
	s9 =	simm.s32 $0x2;
	v22 =	vld.idx.msk [tilespmem:v27+s26+$0x0], $0xffff;
	vm4 =	vlt.f32 v21, v15;
	v21 =	vsel vm6, v33, v16;
	v33 =	vimm.s32 $0xFFFFFFFE  }
.LBB2_26:
0x1ed: {  	s10 =	sadd.s32 s9, s23;
	s11 =	sadd.s32 s9, s8;
	s12 =	sadd.s32 s9, s6;
	vm1 =	vgt.f32 v19, v18;
	v35 =	vld.idx.msk [tilespmem:v31+s2+$0x0], $0xffff;
	vm3 =	vmand vm4, vm3;
	v32 =	vsel vm2, v29, v32  }
0x1ee: {  	v36 =	vmov s10;
	v37 =	vmov s11;
	s10 =	sadd.s32 s9, s7;
	s9 =	sadd.s32 $0x1, s9;
	v38 =	vld.idx.msk [tilespmem:v25+s2+$0x0], $0xffff;
	vm2 =	vmand vm0, vm3  }
0x1ef: {  	v39 =	vmov s12;
	vm4 =	vgt.f32 v34, v18;
	v40 =	vmov s10;
	p4 =	seq.s32 s5, s9;
	v41 =	vld.idx.msk [tilespmem:v25+s28+$0x0], $0xffff;
	v25 =	vmovc v36  }
0x1f0: {  	vm0 =	vlt.f32 v19, v17;
	vm5 =	vgt.f32 v26, v18;
	vm3 =	vlt.f32 v26, v17;
	v42 =	vld.idx.msk [tilespmem:v27+s28+$0x0], $0xffff  }
0x1f1: {  	vm7 =	vgt.f32 v30, v14;
	v33 =	vsel vm2, v23, v33;
	vm6 =	vgt.f32 v24, v14;
	v29 =	vld.idx.msk [tilespmem:v31+s28+$0x0], $0xffff  }
0x1f2: {  	vm8 =	vlt.f32 v24, v15;
	vm5 =	vmand vm7, vm5;
	v27 =	vmovc v37;
	vm2 =	vgt.f32 v22, v18;
	v43 =	vld.idx.msk [tilespmem:v28+s28+$0x0], $0xffff  }
0x1f3: {  	v31 =	vmovc v39;
	vm2 =	vmand vm6, vm2;
	vm6 =	vlt.f32 v22, v17;
	vm7 =	vgt.f32 v35, v14;
	v19 =	vld.idx.msk [tilespmem:v36+s26+$0x0], $0xffff  }
.Ltmp18:
0x1f4: {  	v28 =	vmovc v40;
	vm2 =	vmand vm8, vm2;
	vm4 =	vmand vm7, vm4;
	vm7 =	vlt.f32 v30, v15;
	v30 =	vld.idx.msk [tilespmem:v40+s2+$0x0], $0xffff;
	(pc) =	sbr.rel @!p4 .LBB2_26-.Ltmp18, $4  }
0x1f5: {  	vm8 =	vlt.f32 v34, v17;
	vm2 =	vmand vm6, vm2;
	vm6 =	vlt.f32 v35, v15;
	v23 =	vmovc v41;
	v34 =	vld.idx.msk [tilespmem:v39+s26+$0x0], $0xffff  }
0x1f6: {  	v20 =	vsel vm2, v42, v20;
	vm2 =	vmand vm6, vm4;
	vm4 =	vmand vm7, vm5;
	v26 =	vld.idx.msk [tilespmem:v40+s26+$0x0], $0xffff  }
0x1f7: {  	vm5 =	vgt.f32 v38, v14;
	vm2 =	vmand vm8, vm2;
	vm6 =	vmand vm3, vm4;
	v24 =	vld.idx.msk [tilespmem:v37+s2+$0x0], $0xffff  }
0x1f8: {  	vm3 =	vmand vm5, vm1;
	vm4 =	vlt.f32 v38, v15;
	v21 =	vsel vm6, v43, v21;
	v22 =	vld.idx.msk [tilespmem:v37+s26+$0x0], $0xffff  }
0x1f9: {  	v36 =	vmov v31  }
0x1fa: {  	v37 =	vmovc v25;
	v38 =	vmovc v27;
	v35 =	vmov v34;
	v34 =	vmov v30;
	v30 =	vmov v28  }
.LBB2_28:
0x1fb: {  	_ =	sdelay $0x1  }
0x1fc: {  	vm1 =	vgt.f32 v19, v18;
	vm3 =	vmand @p3 vm4, vm3  }
0x1fd: {  	v27 =	vsel @p3 vm2, v29, v32;
	vm15 =	vgt.f32 v26, v18;
	vm5 =	vlt.f32 v26, v17  }
0x1fe: {  	v25 =	vld.idx.msk [tilespmem:v36+s2+$0x0], $0xffff;
	vm7 =	vgt.f32 v34, v14;
	vm2 =	vmand @p3 vm0, vm3;
	vm3 =	vgt.f32 v35, v18  }
0x1ff: {  	v28 =	vld.idx.msk [tilespmem:v37+s2+$0x0], $0xffff;
	vm0 =	vlt.f32 v19, v17;
	vm6 =	vgt.f32 v24, v14;
	vm8 =	vlt.f32 v24, v15  }
0x200: {  	v62 =	vld.idx.msk [tilespmem:v36+s28+$0x0], $0xffff;
	vm4 =	vmand vm7, vm15;
	vm7 =	vlt.f32 v34, v15;
	vm12 =	vgt.f32 v22, v18  }
0x201: {  	v19 =	vld.idx.msk [tilespmem:v38+s28+$0x0], $0xffff;
	v23 =	vsel @p3 vm2, v23, v33;
	vm13 =	vlt.f32 v22, v17;
	vm2 =	vmand vm6, vm12  }
0x202: {  	v63 =	vld.idx.msk [tilespmem:v30+s28+$0x0], $0xffff;
	vm4 =	vmand vm7, vm4;
	vm12 =	vlt.f32 v35, v17;
	vm2 =	vmand vm8, vm2  }
0x203: {  	v18 =	vld.idx.msk [tilespmem:v37+s28+$0x0], $0xffff;
	vm4 =	vmand vm5, vm4;
	vm14 =	vgt.f32 v25, v14;
	vm2 =	vmand vm13, vm2  }
0x204: {  	vm15 =	vlt.f32 v25, v15;
	vm3 =	vmand vm14, vm3;
	vm14 =	vgt.f32 v28, v14  }
0x205: {  	vm13 =	vmand vm15, vm3;
	vm1 =	vmand vm14, vm1;
	vm15 =	vlt.f32 v28, v15  }
0x206: {  	v17 =	vsel vm2, v19, v20;
	v15 =	vpsel p3, v27, v16;
	vm1 =	vmand vm15, vm1  }
0x207: {  	v16 =	vpsel p3, v23, v16;
	vm2 =	vmand vm12, vm13;
	vm0 =	vmand vm0, vm1  }
0x208: {  	v14 =	vsel vm4, v63, v21;
	v15 =	vsel vm2, v62, v15;
	v16 =	vsel vm0, v18, v16  }
.Ltmp19:
0x209: {  	(pc) =	sbr.rel .LBB2_22-.Ltmp19, $4  }
0x20a: {  	vm0 =	vgt.s32 v16, v17;
	vm1 =	vgt.s32 v15, v14  }
0x20b: {  	v16 =	vsel vm0, v16, v17;
	v14 =	vsel vm1, v15, v14  }
0x20c: {  	vm0 =	vgt.s32 v16, v14  }
0x20d: {  	v14 =	vsel vm0, v16, v14  }
.LBB2_17:
.Ltmp20:
0x20e: {  	(pc) =	sbr.rel .LBB2_28-.Ltmp20, $3  }
0x20f: {  	_ =	sdelay $0x1  }
0x210: {  	v32 =	vimm.s32 $0xFFFFFFFE  }
0x211: {  	v33 =	vimm.s32 $0xFFFFFFFE;
	v20 =	vimm.s32 $0xFFFFFFFE;
	v21 =	vimm.s32 $0xFFFFFFFE  }
.LBB2_25:
.Ltmp21:
0x212: {  	(pc) =	sbr.rel .LBB2_28-.Ltmp21, $3  }
0x213: {  	_ =	sdelay $0x1  }
0x214: {  	v36 =	vmov v31;
	v32 =	vimm.s32 $0xFFFFFFFE;
	v37 =	vmov v25  }
0x215: {  	v38 =	vmovc v27;
	v33 =	vimm.s32 $0xFFFFFFFE;
	v35 =	vmovc v34;
	v34 =	vmov v30;
	v30 =	vmov v28  }
.LBB2_23:
0x216: {  	_ =	sfence.sel $0x180000  }
0x217: {  	[bflag:$0x0] =	sbarrier.arrive $0xFFFF  }
0x218: {  	_ =	strace $0x90000047  }
0x219: {  	s0 =	stileid.u32;
	[bflag:$0x2] =	sbarrier.arrive $0xFFFF  }
0x21a: {  	p0 =	sne.s32 s0, $0x0;
	s0 =	rddreg [dreg:$0x2]  }
0x21b: {  	s0 =	sadd.s32 @!p0 $0x100000, s0  }
0x21c: {  	[sflag:s0] =	ssyncadd.tile.s32 @!p0 $0x1;
	_ =	shalt  }
.Lfunc_end2:
_tile_overlayer_lowered:
.L_overlay_start_2:
0x21d: {  	(tag) =	ssettag $0x2  }
0x21e: {  	s0 =	rddreg [dreg:$0x0];
	s2 =	stileid.u32  }
0x21f: {  	s1 =	rddreg [dreg:$0x1];
	p0 =	sne.s32 s2, $0x0  }
0x220: {  	s3 =	rddreg [dreg:$0x2];
	[bflag:$0x3] =	sbarrier.arrive $0xFFFF;
	s2 =	simm.s32 @!p0 $0x1C06  }
0x221: {  	[timem:s3], [sflag:s2] =	dma.local @!p0 [hbm:s0], s1  }
0x222: {  	s0 =	simm.s32 @!p0 $0x6  }
0x223: {  	_ =	swait.ge @!p0 [sflag:s0], s1  }
0x224: {  	s1 =	ssub.s32 @!p0 $0x0, s1;
	[sflag:s0] =	ssyncset.done @!p0 $0x0  }
0x225: {  	[sflag:s0] =	ssyncadd.s32 @!p0 s1  }
0x226: {  	[bflag:$0x3] =	sbarrier.arrive $0xFFFF  }
0x227: {  	_ =	shalt  }

</sc_bundles>
